<compile_context>
chip_gen: v7x
topology: tpu7x:2x2x1
jax: 0.10.2.dev20260603
libtpu: 0.0.44.dev20260713+nightly
codegen_flags: <defaults>
</compile_context>

<pallas_src>
import functools
import math

import jax
import jax.numpy as jnp
from jax import lax
from jax.experimental import pallas as pl
from jax.experimental.pallas import tpu as pltpu
from jax.experimental.pallas import tpu_sc as plsc

N = 10000
E = 320000
D = 128
W = 272
NPAD = 10240
NSUB = 16
NWORKER = 32
EDGES_PER_SUB = E // NWORKER
CHUNK = 80
NCHUNK = EDGES_PER_SUB // CHUNK
NBUF = 3
LOOKAHEAD = 2
SINFLT = 1
BC = 25
NBLK = NCHUNK // BC
ROWS_PER_SUB = NPAD // NSUB
INV_SQRT_HD = 1.0 / math.sqrt(16.0)


def _mmt(a, w):
    return lax.dot_general(a, w, (((1,), (1,)), ((), ())),
                           preferred_element_type=jnp.float32)


def _tc_pre_body(x_ref, wp_ref, wq_ref, bq_ref, wk_ref, bk_ref, wv_ref,
                 bv_ref, t_ref):
    xv = x_ref[...]
    h = _mmt(xv, wp_ref[...])
    q = _mmt(h, wq_ref[...]) + bq_ref[...]
    k = _mmt(h, wk_ref[...]) + bk_ref[...]
    v = _mmt(h, wv_ref[...]) + bv_ref[...]
    a = jnp.sum(q * k, axis=1, keepdims=True) * INV_SQRT_HD
    wa = jnp.exp(a - jnp.max(a))
    ones = jnp.ones((N, 1), jnp.float32)
    zpad = jnp.zeros((N, W - 2 * D - 2), jnp.float32)
    t = jnp.concatenate([v * wa, h, wa, ones, zpad], axis=1)
    t_ref[...] = t.astype(jnp.bfloat16)


_tc_pre = pl.pallas_call(
    _tc_pre_body,
    out_shape=jax.ShapeDtypeStruct((N, W), jnp.bfloat16),
)


def _sc_edge_body(t_hbm, src_hbm, dst_hbm, zeros_hbm, outa_hbm, outb_hbm,
                  acc, src_v, dst_v, rows_v, sem_g, sem_s):
    cid = lax.axis_index("c")
    sid = lax.axis_index("s")
    wid = cid * NSUB + sid

    pltpu.sync_copy(zeros_hbm, rows_v.at[0])
    for j in range(ROWS_PER_SUB // CHUNK):
        pltpu.sync_copy(
            rows_v.at[0], acc.at[pl.ds(sid * ROWS_PER_SUB + j * CHUNK, CHUNK)])

    plsc.subcore_barrier()

    def block(blk, carry):
        idx_base = pl.ds(wid * NCHUNK + blk * BC, BC)
        pltpu.sync_copy(src_hbm.at[idx_base], src_v)
        pltpu.sync_copy(dst_hbm.at[idx_base], dst_v)

        for b in range(LOOKAHEAD):
            pltpu.async_copy(t_hbm.at[src_v.at[b]], rows_v.at[b], sem_g)

        def it(j, c):
            pltpu.make_async_copy(t_hbm.at[src_v.at[j]],
                                  rows_v.at[j % NBUF], sem_g).wait()

            @pl.when(j >= SINFLT)
            def _():
                pltpu.make_async_copy(
                    rows_v.at[(j - SINFLT) % NBUF],
                    acc.at[dst_v.at[j - SINFLT]], sem_s).wait()

            pltpu.async_copy(rows_v.at[j % NBUF],
                             acc.at[dst_v.at[j]], sem_s, add=True)

            @pl.when(j + LOOKAHEAD < BC)
            def _():
                pltpu.async_copy(t_hbm.at[src_v.at[j + LOOKAHEAD]],
                                 rows_v.at[(j + LOOKAHEAD) % NBUF], sem_g)

            return c

        lax.fori_loop(0, BC, it, 0)
        for k in range(BC - SINFLT, BC):
            pltpu.make_async_copy(rows_v.at[k % NBUF],
                                  acc.at[dst_v.at[k]], sem_s).wait()
        return carry

    lax.fori_loop(0, NBLK, block, 0)
    plsc.subcore_barrier()

    dst_slice = pl.ds(sid * ROWS_PER_SUB, ROWS_PER_SUB)

    @pl.when(cid == 0)
    def _():
        pltpu.sync_copy(acc.at[dst_slice], outa_hbm.at[dst_slice])

    @pl.when(cid == 1)
    def _():
        pltpu.sync_copy(acc.at[dst_slice], outb_hbm.at[dst_slice])


_sc_edge = functools.partial(
    pl.kernel,
    out_type=[
        jax.ShapeDtypeStruct((NPAD, W), jnp.bfloat16),
        jax.ShapeDtypeStruct((NPAD, W), jnp.bfloat16),
    ],
    mesh=plsc.VectorSubcoreMesh(core_axis_name="c", subcore_axis_name="s"),
    scratch_types=[
        pltpu.VMEM_SHARED((NPAD, W), jnp.bfloat16),
        pltpu.VMEM((BC, CHUNK), jnp.int32),
        pltpu.VMEM((BC, CHUNK), jnp.int32),
        pltpu.VMEM((NBUF, CHUNK, W), jnp.bfloat16),
        pltpu.SemaphoreType.DMA,
        pltpu.SemaphoreType.DMA,
    ],
    compiler_params=pltpu.CompilerParams(use_tc_tiling_on_sc=False),
)(_sc_edge_body)


def _tc_post_body(acca_ref, accb_ref, g_ref, b_ref, out_ref):
    t = (acca_ref[...].astype(jnp.float32)
         + accb_ref[...].astype(jnp.float32))
    u = t[:, :D]
    p = t[:, D:2 * D]
    s = t[:, 2 * D:2 * D + 1]
    cnt = t[:, 2 * D + 1:2 * D + 2]
    o = u / (s + 1e-16) + p / jnp.maximum(cnt, 1.0)
    mu = jnp.mean(o, axis=1, keepdims=True)
    var = jnp.mean((o - mu) ** 2, axis=1, keepdims=True)
    r = (o - mu) * lax.rsqrt(var + 1e-5) * g_ref[...] + b_ref[...]
    out_ref[...] = r[:N][None]


_tc_post = pl.pallas_call(
    _tc_post_body,
    out_shape=jax.ShapeDtypeStruct((1, N, D), jnp.float32),
)


def kernel(x, edge_index, W_proj, Wq, bq, Wk, bk, Wv, bv, gamma, beta):
    xs = x[0]
    src = edge_index[0].astype(jnp.int32).reshape(E // CHUNK, CHUNK)
    dst = edge_index[1].astype(jnp.int32).reshape(E // CHUNK, CHUNK)
    t = _tc_pre(xs, W_proj, Wq, bq[None, :], Wk, bk[None, :],
                Wv, bv[None, :])
    zeros = jnp.zeros((CHUNK, W), jnp.bfloat16)
    acca, accb = _sc_edge(t, src, dst, zeros)
    return _tc_post(acca, accb, gamma[None, :], beta[None, :])

# --- scband reference (transcript-rebuilt; emitter-appended) ---
"""Pipeline reference for scband-gnnontology-layer-1382979470011 (READ-ONLY COPY).

The authoritative reference and input builder live on the scoring server;
editing this copy changes nothing except your own understanding.
"""

import jax, jax.numpy as jnp
import numpy as np
import math

N = 10000
E = 320000
IN_DIM = 128
D = 128
NUM_HEADS = 8
HEAD_DIM = D // NUM_HEADS


def _linear_init(key, out_f, in_f, bias=True):
    k1, k2 = jax.random.split(key)
    bound = 1.0 / math.sqrt(in_f)
    W = jax.random.uniform(k1, (out_f, in_f), minval=-bound, maxval=bound, dtype=jnp.float32)
    if bias:
        b = jax.random.uniform(k2, (out_f,), minval=-bound, maxval=bound, dtype=jnp.float32)
        return W, b
    return W, None


def setup_inputs(seed: int = 0) -> dict:
    key = jax.random.key(seed)
    ks = jax.random.split(key, 8)
    x = jax.random.normal(ks[0], (1, N, IN_DIM), dtype=jnp.float32)
    src = jax.random.randint(ks[1], (E,), 0, N)
    dst = jax.random.randint(ks[2], (E,), 0, N)
    dst = dst.at[0].set(N - 1)  # ensure dst.max()+1 == N (matches torch dim_size logic deterministically)
    edge_index = jnp.stack([src, dst], axis=0)
    W_proj, _ = _linear_init(ks[3], D, IN_DIM, bias=False)
    Wq, bq = _linear_init(ks[4], D, D)
    Wk, bk = _linear_init(ks[5], D, D)
    Wv, bv = _linear_init(ks[6], D, D)
    gamma = jnp.ones((D,), dtype=jnp.float32)
    beta = jnp.zeros((D,), dtype=jnp.float32)
    return {"x": x, "edge_index": edge_index, "W_proj": W_proj, "Wq": Wq, "bq": bq,
            "Wk": Wk, "bk": bk, "Wv": Wv, "bv": bv, "gamma": gamma, "beta": beta}


def reference(x, edge_index, W_proj, Wq, bq, Wk, bk, Wv, bv, gamma, beta):
    src = edge_index[0]
    dst = edge_index[1]
    n_out = x.shape[1]
    # proj (Linear, no bias); dropout p=0.0 is identity
    h = x @ W_proj.T                       # [B, N, D]
    lifted = jnp.take(h, src, axis=1)      # [B, E, D] gather
    Q = lifted @ Wq.T + bq
    K = lifted @ Wk.T + bk
    V = lifted @ Wv.T + bv
    alpha = jnp.sum(Q * K, axis=-1) / math.sqrt(HEAD_DIM)   # [B, E]
    # segment softmax over edges grouped by dst (torch_geometric.utils.softmax)
    aT = jnp.swapaxes(alpha, 0, 1)                            # [E, B]
    m = jax.ops.segment_max(aT, dst, num_segments=n_out)      # [n_out, B]
    m = jax.lax.stop_gradient(m)
    ex = jnp.exp(aT - m[dst])
    s = jax.ops.segment_sum(ex, dst, num_segments=n_out)
    attn = ex / (s[dst] + 1e-16)                              # [E, B]
    wV = V * jnp.swapaxes(attn, 0, 1)[..., None]              # [B, E, D]
    wV_e = jnp.swapaxes(wV, 0, 1)                             # [E, B, D]
    agg = jax.ops.segment_sum(wV_e, dst, num_segments=n_out)  # [n_out, B, D]
    # skip connections: scatter-mean of lifted features
    lifted_e = jnp.swapaxes(lifted, 0, 1)                     # [E, B, D]
    ssum = jax.ops.segment_sum(lifted_e, dst, num_segments=n_out)
    cnt = jax.ops.segment_sum(jnp.ones((E,), jnp.float32), dst, num_segments=n_out)
    skip = ssum / jnp.maximum(cnt, 1.0)[:, None, None]
    out = jnp.swapaxes(agg + skip, 0, 1)                      # [B, n_out, D]
    # LayerNorm
    mu = jnp.mean(out, axis=-1, keepdims=True)
    var = jnp.mean((out - mu) ** 2, axis=-1, keepdims=True)
    out = (out - mu) / jnp.sqrt(var + 1e-5) * gamma + beta
    return out

if __name__ == "__main__":
    import jax
    _d = setup_inputs()
    print(jax.jit(kernel)(*tuple(_d.values())))

</pallas_src>

<mosaic_0001>
#map = affine_map<(d0, d1) -> (0, 0)>
module attributes {stable_mosaic.version = 14 : i64} {
  func.func @_sc_edge_body(%arg0: i32, %arg1: i32, %arg2: memref<10000x272xbf16, #tpu.memory_space<hbm>>, %arg3: memref<4000x80xi32, #tpu.memory_space<hbm>>, %arg4: memref<4000x80xi32, #tpu.memory_space<hbm>>, %arg5: memref<80x272xbf16, #tpu.memory_space<hbm>>, %arg6: memref<10240x272xbf16, #tpu.memory_space<hbm>>, %arg7: memref<10240x272xbf16, #tpu.memory_space<hbm>>, %arg8: memref<10240x272xbf16, #tpu.memory_space<vmem_shared>>, %arg9: memref<25x80xi32, #tpu.memory_space<vmem>>, %arg10: memref<25x80xi32, #tpu.memory_space<vmem>>, %arg11: memref<3x80x272xbf16, #tpu.memory_space<vmem>>, %arg12: memref<!tpu.dma_semaphore, #tpu.memory_space<semaphore_mem>>, %arg13: memref<!tpu.dma_semaphore, #tpu.memory_space<semaphore_mem>>) attributes {dimension_semantics = [#tpu.dimension_semantics<core_parallel>, #tpu.dimension_semantics<subcore_parallel>], iteration_bounds = array<i64: 2, 16>, scalar_prefetch = 0 : i64, scratch_operands = 6 : i64, tpu.core_type = #tpu.core_type<sc_vector_subcore>, window_params = [{transform_indices = #map}, {transform_indices = #map}, {transform_indices = #map}, {transform_indices = #map}, {transform_indices = #map}, {transform_indices = #map}]} {
    %mul3A = arith.constant 16 : i32
    %mul3A_0 = arith.muli %arg0, %mul3A : i32
    %add3A = arith.addi %mul3A_0, %arg1 : i32
    %run_scoped3A = arith.constant 0 : i32
    "tpu.region"() ({
      %run_scoped3A_56 = tpu.sem_alloc : memref<!tpu.dma_semaphore, #tpu.memory_space<semaphore_mem>>
      %dma_start3A = arith.constant 0 : i32
      %dma_start3A_57 = arith.constant 0 : i32
      %dma_start3A_58 = tpu.memref_slice %arg11[%run_scoped3A, %dma_start3A, %dma_start3A_57] : memref<3x80x272xbf16, #tpu.memory_space<vmem>> -> memref<1x80x272xbf16, #tpu.memory_space<vmem>>
      %dma_start3A_59 = tpu.memref_squeeze %dma_start3A_58 : memref<1x80x272xbf16, #tpu.memory_space<vmem>> -> memref<80x272xbf16, #tpu.memory_space<vmem>>
      %dma_start3A_60 = arith.constant 0 : i32
      %dma_start3A_61 = arith.constant 0 : i32
      %dma_start3A_62 = tpu.memref_slice %arg11[%run_scoped3A, %dma_start3A_60, %dma_start3A_61] : memref<3x80x272xbf16, #tpu.memory_space<vmem>> -> memref<1x80x272xbf16, #tpu.memory_space<vmem>>
      %dma_start3A_63 = tpu.memref_squeeze %dma_start3A_62 : memref<1x80x272xbf16, #tpu.memory_space<vmem>> -> memref<80x272xbf16, #tpu.memory_space<vmem>>
      tpu.enqueue_dma source(%arg5 : memref<80x272xbf16, #tpu.memory_space<hbm>>) target(%dma_start3A_63 : memref<80x272xbf16, #tpu.memory_space<vmem>>) target_semaphore(%run_scoped3A_56 : memref<!tpu.dma_semaphore, #tpu.memory_space<semaphore_mem>>)
      %dma_wait3A = arith.constant 0 : i32
      %dma_wait3A_64 = arith.constant 0 : i32
      %dma_wait3A_65 = tpu.memref_slice %arg11[%run_scoped3A, %dma_wait3A, %dma_wait3A_64] : memref<3x80x272xbf16, #tpu.memory_space<vmem>> -> memref<1x80x272xbf16, #tpu.memory_space<vmem>>
      %dma_wait3A_66 = tpu.memref_squeeze %dma_wait3A_65 : memref<1x80x272xbf16, #tpu.memory_space<vmem>> -> memref<80x272xbf16, #tpu.memory_space<vmem>>
      %dma_wait3A_67 = arith.constant 0 : i32
      %dma_wait3A_68 = arith.constant 0 : i32
      %dma_wait3A_69 = tpu.memref_slice %arg11[%run_scoped3A, %dma_wait3A_67, %dma_wait3A_68] : memref<3x80x272xbf16, #tpu.memory_space<vmem>> -> memref<1x80x272xbf16, #tpu.memory_space<vmem>>
      %dma_wait3A_70 = tpu.memref_squeeze %dma_wait3A_69 : memref<1x80x272xbf16, #tpu.memory_space<vmem>> -> memref<80x272xbf16, #tpu.memory_space<vmem>>
      tpu.wait_dma2 semaphore(%run_scoped3A_56 : memref<!tpu.dma_semaphore, #tpu.memory_space<semaphore_mem>>) src(%arg5 : memref<80x272xbf16, #tpu.memory_space<hbm>>) dst(%dma_wait3A_70 : memref<80x272xbf16, #tpu.memory_space<vmem>>)
      tpu.yield
    }) : () -> ()
    %mul3A_1 = arith.constant 640 : i32
    %mul3A_2 = arith.muli %arg1, %mul3A_1 : i32
    %add3A_3 = arith.constant 0 : i32
    %add3A_4 = arith.addi %mul3A_2, %add3A_3 : i32
    %run_scoped3A_5 = arith.constant 0 : i32
    "tpu.region"() ({
      %run_scoped3A_56 = tpu.sem_alloc : memref<!tpu.dma_semaphore, #tpu.memory_space<semaphore_mem>>
      %dma_start3A = arith.constant 0 : i32
      %dma_start3A_57 = arith.constant 0 : i32
      %dma_start3A_58 = tpu.memref_slice %arg11[%run_scoped3A_5, %dma_start3A, %dma_start3A_57] : memref<3x80x272xbf16, #tpu.memory_space<vmem>> -> memref<1x80x272xbf16, #tpu.memory_space<vmem>>
      %dma_start3A_59 = tpu.memref_squeeze %dma_start3A_58 : memref<1x80x272xbf16, #tpu.memory_space<vmem>> -> memref<80x272xbf16, #tpu.memory_space<vmem>>
      %dma_start3A_60 = arith.constant 0 : i32
      %dma_start3A_61 = tpu.memref_slice %arg8[%add3A_4, %dma_start3A_60] : memref<10240x272xbf16, #tpu.memory_space<vmem_shared>> -> memref<80x272xbf16, #tpu.memory_space<vmem_shared>>
      %dma_start3A_62 = arith.constant 0 : i32
      %dma_start3A_63 = tpu.memref_slice %arg8[%add3A_4, %dma_start3A_62] : memref<10240x272xbf16, #tpu.memory_space<vmem_shared>> -> memref<80x272xbf16, #tpu.memory_space<vmem_shared>>
      %dma_start3A_64 = arith.constant 0 : i32
      %dma_start3A_65 = arith.constant 0 : i32
      %dma_start3A_66 = tpu.memref_slice %arg11[%run_scoped3A_5, %dma_start3A_64, %dma_start3A_65] : memref<3x80x272xbf16, #tpu.memory_space<vmem>> -> memref<1x80x272xbf16, #tpu.memory_space<vmem>>
      %dma_start3A_67 = tpu.memref_squeeze %dma_start3A_66 : memref<1x80x272xbf16, #tpu.memory_space<vmem>> -> memref<80x272xbf16, #tpu.memory_space<vmem>>
      tpu.enqueue_dma source(%dma_start3A_67 : memref<80x272xbf16, #tpu.memory_space<vmem>>) target(%dma_start3A_63 : memref<80x272xbf16, #tpu.memory_space<vmem_shared>>) target_semaphore(%run_scoped3A_56 : memref<!tpu.dma_semaphore, #tpu.memory_space<semaphore_mem>>)
      %dma_wait3A = arith.constant 0 : i32
      %dma_wait3A_68 = arith.constant 0 : i32
      %dma_wait3A_69 = tpu.memref_slice %arg11[%run_scoped3A_5, %dma_wait3A, %dma_wait3A_68] : memref<3x80x272xbf16, #tpu.memory_space<vmem>> -> memref<1x80x272xbf16, #tpu.memory_space<vmem>>
      %dma_wait3A_70 = tpu.memref_squeeze %dma_wait3A_69 : memref<1x80x272xbf16, #tpu.memory_space<vmem>> -> memref<80x272xbf16, #tpu.memory_space<vmem>>
      %dma_wait3A_71 = arith.constant 0 : i32
      %dma_wait3A_72 = tpu.memref_slice %arg8[%add3A_4, %dma_wait3A_71] : memref<10240x272xbf16, #tpu.memory_space<vmem_shared>> -> memref<80x272xbf16, #tpu.memory_space<vmem_shared>>
      %dma_wait3A_73 = arith.constant 0 : i32
      %dma_wait3A_74 = tpu.memref_slice %arg8[%add3A_4, %dma_wait3A_73] : memref<10240x272xbf16, #tpu.memory_space<vmem_shared>> -> memref<80x272xbf16, #tpu.memory_space<vmem_shared>>
      %dma_wait3A_75 = arith.constant 0 : i32
      %dma_wait3A_76 = arith.constant 0 : i32
      %dma_wait3A_77 = tpu.memref_slice %arg11[%run_scoped3A_5, %dma_wait3A_75, %dma_wait3A_76] : memref<3x80x272xbf16, #tpu.memory_space<vmem>> -> memref<1x80x272xbf16, #tpu.memory_space<vmem>>
      %dma_wait3A_78 = tpu.memref_squeeze %dma_wait3A_77 : memref<1x80x272xbf16, #tpu.memory_space<vmem>> -> memref<80x272xbf16, #tpu.memory_space<vmem>>
      tpu.wait_dma2 semaphore(%run_scoped3A_56 : memref<!tpu.dma_semaphore, #tpu.memory_space<semaphore_mem>>) src(%dma_wait3A_78 : memref<80x272xbf16, #tpu.memory_space<vmem>>) dst(%dma_wait3A_74 : memref<80x272xbf16, #tpu.memory_space<vmem_shared>>)
      tpu.yield
    }) : () -> ()
    %mul3A_6 = arith.constant 640 : i32
    %mul3A_7 = arith.muli %arg1, %mul3A_6 : i32
    %add3A_8 = arith.constant 80 : i32
    %add3A_9 = arith.addi %mul3A_7, %add3A_8 : i32
    %run_scoped3A_10 = arith.constant 0 : i32
    "tpu.region"() ({
      %run_scoped3A_56 = tpu.sem_alloc : memref<!tpu.dma_semaphore, #tpu.memory_space<semaphore_mem>>
      %dma_start3A = arith.constant 0 : i32
      %dma_start3A_57 = arith.constant 0 : i32
      %dma_start3A_58 = tpu.memref_slice %arg11[%run_scoped3A_10, %dma_start3A, %dma_start3A_57] : memref<3x80x272xbf16, #tpu.memory_space<vmem>> -> memref<1x80x272xbf16, #tpu.memory_space<vmem>>
      %dma_start3A_59 = tpu.memref_squeeze %dma_start3A_58 : memref<1x80x272xbf16, #tpu.memory_space<vmem>> -> memref<80x272xbf16, #tpu.memory_space<vmem>>
      %dma_start3A_60 = arith.constant 0 : i32
      %dma_start3A_61 = tpu.memref_slice %arg8[%add3A_9, %dma_start3A_60] : memref<10240x272xbf16, #tpu.memory_space<vmem_shared>> -> memref<80x272xbf16, #tpu.memory_space<vmem_shared>>
      %dma_start3A_62 = arith.constant 0 : i32
      %dma_start3A_63 = tpu.memref_slice %arg8[%add3A_9, %dma_start3A_62] : memref<10240x272xbf16, #tpu.memory_space<vmem_shared>> -> memref<80x272xbf16, #tpu.memory_space<vmem_shared>>
      %dma_start3A_64 = arith.constant 0 : i32
      %dma_start3A_65 = arith.constant 0 : i32
      %dma_start3A_66 = tpu.memref_slice %arg11[%run_scoped3A_10, %dma_start3A_64, %dma_start3A_65] : memref<3x80x272xbf16, #tpu.memory_space<vmem>> -> memref<1x80x272xbf16, #tpu.memory_space<vmem>>
      %dma_start3A_67 = tpu.memref_squeeze %dma_start3A_66 : memref<1x80x272xbf16, #tpu.memory_space<vmem>> -> memref<80x272xbf16, #tpu.memory_space<vmem>>
      tpu.enqueue_dma source(%dma_start3A_67 : memref<80x272xbf16, #tpu.memory_space<vmem>>) target(%dma_start3A_63 : memref<80x272xbf16, #tpu.memory_space<vmem_shared>>) target_semaphore(%run_scoped3A_56 : memref<!tpu.dma_semaphore, #tpu.memory_space<semaphore_mem>>)
      %dma_wait3A = arith.constant 0 : i32
      %dma_wait3A_68 = arith.constant 0 : i32
      %dma_wait3A_69 = tpu.memref_slice %arg11[%run_scoped3A_10, %dma_wait3A, %dma_wait3A_68] : memref<3x80x272xbf16, #tpu.memory_space<vmem>> -> memref<1x80x272xbf16, #tpu.memory_space<vmem>>
      %dma_wait3A_70 = tpu.memref_squeeze %dma_wait3A_69 : memref<1x80x272xbf16, #tpu.memory_space<vmem>> -> memref<80x272xbf16, #tpu.memory_space<vmem>>
      %dma_wait3A_71 = arith.constant 0 : i32
      %dma_wait3A_72 = tpu.memref_slice %arg8[%add3A_9, %dma_wait3A_71] : memref<10240x272xbf16, #tpu.memory_space<vmem_shared>> -> memref<80x272xbf16, #tpu.memory_space<vmem_shared>>
      %dma_wait3A_73 = arith.constant 0 : i32
      %dma_wait3A_74 = tpu.memref_slice %arg8[%add3A_9, %dma_wait3A_73] : memref<10240x272xbf16, #tpu.memory_space<vmem_shared>> -> memref<80x272xbf16, #tpu.memory_space<vmem_shared>>
      %dma_wait3A_75 = arith.constant 0 : i32
      %dma_wait3A_76 = arith.constant 0 : i32
      %dma_wait3A_77 = tpu.memref_slice %arg11[%run_scoped3A_10, %dma_wait3A_75, %dma_wait3A_76] : memref<3x80x272xbf16, #tpu.memory_space<vmem>> -> memref<1x80x272xbf16, #tpu.memory_space<vmem>>
      %dma_wait3A_78 = tpu.memref_squeeze %dma_wait3A_77 : memref<1x80x272xbf16, #tpu.memory_space<vmem>> -> memref<80x272xbf16, #tpu.memory_space<vmem>>
      tpu.wait_dma2 semaphore(%run_scoped3A_56 : memref<!tpu.dma_semaphore, #tpu.memory_space<semaphore_mem>>) src(%dma_wait3A_78 : memref<80x272xbf16, #tpu.memory_space<vmem>>) dst(%dma_wait3A_74 : memref<80x272xbf16, #tpu.memory_space<vmem_shared>>)
      tpu.yield
    }) : () -> ()
    %mul3A_11 = arith.constant 640 : i32
    %mul3A_12 = arith.muli %arg1, %mul3A_11 : i32
    %add3A_13 = arith.constant 160 : i32
    %add3A_14 = arith.addi %mul3A_12, %add3A_13 : i32
    %run_scoped3A_15 = arith.constant 0 : i32
    "tpu.region"() ({
      %run_scoped3A_56 = tpu.sem_alloc : memref<!tpu.dma_semaphore, #tpu.memory_space<semaphore_mem>>
      %dma_start3A = arith.constant 0 : i32
      %dma_start3A_57 = arith.constant 0 : i32
      %dma_start3A_58 = tpu.memref_slice %arg11[%run_scoped3A_15, %dma_start3A, %dma_start3A_57] : memref<3x80x272xbf16, #tpu.memory_space<vmem>> -> memref<1x80x272xbf16, #tpu.memory_space<vmem>>
      %dma_start3A_59 = tpu.memref_squeeze %dma_start3A_58 : memref<1x80x272xbf16, #tpu.memory_space<vmem>> -> memref<80x272xbf16, #tpu.memory_space<vmem>>
      %dma_start3A_60 = arith.constant 0 : i32
      %dma_start3A_61 = tpu.memref_slice %arg8[%add3A_14, %dma_start3A_60] : memref<10240x272xbf16, #tpu.memory_space<vmem_shared>> -> memref<80x272xbf16, #tpu.memory_space<vmem_shared>>
      %dma_start3A_62 = arith.constant 0 : i32
      %dma_start3A_63 = tpu.memref_slice %arg8[%add3A_14, %dma_start3A_62] : memref<10240x272xbf16, #tpu.memory_space<vmem_shared>> -> memref<80x272xbf16, #tpu.memory_space<vmem_shared>>
      %dma_start3A_64 = arith.constant 0 : i32
      %dma_start3A_65 = arith.constant 0 : i32
      %dma_start3A_66 = tpu.memref_slice %arg11[%run_scoped3A_15, %dma_start3A_64, %dma_start3A_65] : memref<3x80x272xbf16, #tpu.memory_space<vmem>> -> memref<1x80x272xbf16, #tpu.memory_space<vmem>>
      %dma_start3A_67 = tpu.memref_squeeze %dma_start3A_66 : memref<1x80x272xbf16, #tpu.memory_space<vmem>> -> memref<80x272xbf16, #tpu.memory_space<vmem>>
      tpu.enqueue_dma source(%dma_start3A_67 : memref<80x272xbf16, #tpu.memory_space<vmem>>) target(%dma_start3A_63 : memref<80x272xbf16, #tpu.memory_space<vmem_shared>>) target_semaphore(%run_scoped3A_56 : memref<!tpu.dma_semaphore, #tpu.memory_space<semaphore_mem>>)
      %dma_wait3A = arith.constant 0 : i32
      %dma_wait3A_68 = arith.constant 0 : i32
      %dma_wait3A_69 = tpu.memref_slice %arg11[%run_scoped3A_15, %dma_wait3A, %dma_wait3A_68] : memref<3x80x272xbf16, #tpu.memory_space<vmem>> -> memref<1x80x272xbf16, #tpu.memory_space<vmem>>
      %dma_wait3A_70 = tpu.memref_squeeze %dma_wait3A_69 : memref<1x80x272xbf16, #tpu.memory_space<vmem>> -> memref<80x272xbf16, #tpu.memory_space<vmem>>
      %dma_wait3A_71 = arith.constant 0 : i32
      %dma_wait3A_72 = tpu.memref_slice %arg8[%add3A_14, %dma_wait3A_71] : memref<10240x272xbf16, #tpu.memory_space<vmem_shared>> -> memref<80x272xbf16, #tpu.memory_space<vmem_shared>>
      %dma_wait3A_73 = arith.constant 0 : i32
      %dma_wait3A_74 = tpu.memref_slice %arg8[%add3A_14, %dma_wait3A_73] : memref<10240x272xbf16, #tpu.memory_space<vmem_shared>> -> memref<80x272xbf16, #tpu.memory_space<vmem_shared>>
      %dma_wait3A_75 = arith.constant 0 : i32
      %dma_wait3A_76 = arith.constant 0 : i32
      %dma_wait3A_77 = tpu.memref_slice %arg11[%run_scoped3A_15, %dma_wait3A_75, %dma_wait3A_76] : memref<3x80x272xbf16, #tpu.memory_space<vmem>> -> memref<1x80x272xbf16, #tpu.memory_space<vmem>>
      %dma_wait3A_78 = tpu.memref_squeeze %dma_wait3A_77 : memref<1x80x272xbf16, #tpu.memory_space<vmem>> -> memref<80x272xbf16, #tpu.memory_space<vmem>>
      tpu.wait_dma2 semaphore(%run_scoped3A_56 : memref<!tpu.dma_semaphore, #tpu.memory_space<semaphore_mem>>) src(%dma_wait3A_78 : memref<80x272xbf16, #tpu.memory_space<vmem>>) dst(%dma_wait3A_74 : memref<80x272xbf16, #tpu.memory_space<vmem_shared>>)
      tpu.yield
    }) : () -> ()
    %mul3A_16 = arith.constant 640 : i32
    %mul3A_17 = arith.muli %arg1, %mul3A_16 : i32
    %add3A_18 = arith.constant 240 : i32
    %add3A_19 = arith.addi %mul3A_17, %add3A_18 : i32
    %run_scoped3A_20 = arith.constant 0 : i32
    "tpu.region"() ({
      %run_scoped3A_56 = tpu.sem_alloc : memref<!tpu.dma_semaphore, #tpu.memory_space<semaphore_mem>>
      %dma_start3A = arith.constant 0 : i32
      %dma_start3A_57 = arith.constant 0 : i32
      %dma_start3A_58 = tpu.memref_slice %arg11[%run_scoped3A_20, %dma_start3A, %dma_start3A_57] : memref<3x80x272xbf16, #tpu.memory_space<vmem>> -> memref<1x80x272xbf16, #tpu.memory_space<vmem>>
      %dma_start3A_59 = tpu.memref_squeeze %dma_start3A_58 : memref<1x80x272xbf16, #tpu.memory_space<vmem>> -> memref<80x272xbf16, #tpu.memory_space<vmem>>
      %dma_start3A_60 = arith.constant 0 : i32
      %dma_start3A_61 = tpu.memref_slice %arg8[%add3A_19, %dma_start3A_60] : memref<10240x272xbf16, #tpu.memory_space<vmem_shared>> -> memref<80x272xbf16, #tpu.memory_space<vmem_shared>>
      %dma_start3A_62 = arith.constant 0 : i32
      %dma_start3A_63 = tpu.memref_slice %arg8[%add3A_19, %dma_start3A_62] : memref<10240x272xbf16, #tpu.memory_space<vmem_shared>> -> memref<80x272xbf16, #tpu.memory_space<vmem_shared>>
      %dma_start3A_64 = arith.constant 0 : i32
      %dma_start3A_65 = arith.constant 0 : i32
      %dma_start3A_66 = tpu.memref_slice %arg11[%run_scoped3A_20, %dma_start3A_64, %dma_start3A_65] : memref<3x80x272xbf16, #tpu.memory_space<vmem>> -> memref<1x80x272xbf16, #tpu.memory_space<vmem>>
      %dma_start3A_67 = tpu.memref_squeeze %dma_start3A_66 : memref<1x80x272xbf16, #tpu.memory_space<vmem>> -> memref<80x272xbf16, #tpu.memory_space<vmem>>
      tpu.enqueue_dma source(%dma_start3A_67 : memref<80x272xbf16, #tpu.memory_space<vmem>>) target(%dma_start3A_63 : memref<80x272xbf16, #tpu.memory_space<vmem_shared>>) target_semaphore(%run_scoped3A_56 : memref<!tpu.dma_semaphore, #tpu.memory_space<semaphore_mem>>)
      %dma_wait3A = arith.constant 0 : i32
      %dma_wait3A_68 = arith.constant 0 : i32
      %dma_wait3A_69 = tpu.memref_slice %arg11[%run_scoped3A_20, %dma_wait3A, %dma_wait3A_68] : memref<3x80x272xbf16, #tpu.memory_space<vmem>> -> memref<1x80x272xbf16, #tpu.memory_space<vmem>>
      %dma_wait3A_70 = tpu.memref_squeeze %dma_wait3A_69 : memref<1x80x272xbf16, #tpu.memory_space<vmem>> -> memref<80x272xbf16, #tpu.memory_space<vmem>>
      %dma_wait3A_71 = arith.constant 0 : i32
      %dma_wait3A_72 = tpu.memref_slice %arg8[%add3A_19, %dma_wait3A_71] : memref<10240x272xbf16, #tpu.memory_space<vmem_shared>> -> memref<80x272xbf16, #tpu.memory_space<vmem_shared>>
      %dma_wait3A_73 = arith.constant 0 : i32
      %dma_wait3A_74 = tpu.memref_slice %arg8[%add3A_19, %dma_wait3A_73] : memref<10240x272xbf16, #tpu.memory_space<vmem_shared>> -> memref<80x272xbf16, #tpu.memory_space<vmem_shared>>
      %dma_wait3A_75 = arith.constant 0 : i32
      %dma_wait3A_76 = arith.constant 0 : i32
      %dma_wait3A_77 = tpu.memref_slice %arg11[%run_scoped3A_20, %dma_wait3A_75, %dma_wait3A_76] : memref<3x80x272xbf16, #tpu.memory_space<vmem>> -> memref<1x80x272xbf16, #tpu.memory_space<vmem>>
      %dma_wait3A_78 = tpu.memref_squeeze %dma_wait3A_77 : memref<1x80x272xbf16, #tpu.memory_space<vmem>> -> memref<80x272xbf16, #tpu.memory_space<vmem>>
      tpu.wait_dma2 semaphore(%run_scoped3A_56 : memref<!tpu.dma_semaphore, #tpu.memory_space<semaphore_mem>>) src(%dma_wait3A_78 : memref<80x272xbf16, #tpu.memory_space<vmem>>) dst(%dma_wait3A_74 : memref<80x272xbf16, #tpu.memory_space<vmem_shared>>)
      tpu.yield
    }) : () -> ()
    %mul3A_21 = arith.constant 640 : i32
    %mul3A_22 = arith.muli %arg1, %mul3A_21 : i32
    %add3A_23 = arith.constant 320 : i32
    %add3A_24 = arith.addi %mul3A_22, %add3A_23 : i32
    %run_scoped3A_25 = arith.constant 0 : i32
    "tpu.region"() ({
      %run_scoped3A_56 = tpu.sem_alloc : memref<!tpu.dma_semaphore, #tpu.memory_space<semaphore_mem>>
      %dma_start3A = arith.constant 0 : i32
      %dma_start3A_57 = arith.constant 0 : i32
      %dma_start3A_58 = tpu.memref_slice %arg11[%run_scoped3A_25, %dma_start3A, %dma_start3A_57] : memref<3x80x272xbf16, #tpu.memory_space<vmem>> -> memref<1x80x272xbf16, #tpu.memory_space<vmem>>
      %dma_start3A_59 = tpu.memref_squeeze %dma_start3A_58 : memref<1x80x272xbf16, #tpu.memory_space<vmem>> -> memref<80x272xbf16, #tpu.memory_space<vmem>>
      %dma_start3A_60 = arith.constant 0 : i32
      %dma_start3A_61 = tpu.memref_slice %arg8[%add3A_24, %dma_start3A_60] : memref<10240x272xbf16, #tpu.memory_space<vmem_shared>> -> memref<80x272xbf16, #tpu.memory_space<vmem_shared>>
      %dma_start3A_62 = arith.constant 0 : i32
      %dma_start3A_63 = tpu.memref_slice %arg8[%add3A_24, %dma_start3A_62] : memref<10240x272xbf16, #tpu.memory_space<vmem_shared>> -> memref<80x272xbf16, #tpu.memory_space<vmem_shared>>
      %dma_start3A_64 = arith.constant 0 : i32
      %dma_start3A_65 = arith.constant 0 : i32
      %dma_start3A_66 = tpu.memref_slice %arg11[%run_scoped3A_25, %dma_start3A_64, %dma_start3A_65] : memref<3x80x272xbf16, #tpu.memory_space<vmem>> -> memref<1x80x272xbf16, #tpu.memory_space<vmem>>
      %dma_start3A_67 = tpu.memref_squeeze %dma_start3A_66 : memref<1x80x272xbf16, #tpu.memory_space<vmem>> -> memref<80x272xbf16, #tpu.memory_space<vmem>>
      tpu.enqueue_dma source(%dma_start3A_67 : memref<80x272xbf16, #tpu.memory_space<vmem>>) target(%dma_start3A_63 : memref<80x272xbf16, #tpu.memory_space<vmem_shared>>) target_semaphore(%run_scoped3A_56 : memref<!tpu.dma_semaphore, #tpu.memory_space<semaphore_mem>>)
      %dma_wait3A = arith.constant 0 : i32
      %dma_wait3A_68 = arith.constant 0 : i32
      %dma_wait3A_69 = tpu.memref_slice %arg11[%run_scoped3A_25, %dma_wait3A, %dma_wait3A_68] : memref<3x80x272xbf16, #tpu.memory_space<vmem>> -> memref<1x80x272xbf16, #tpu.memory_space<vmem>>
      %dma_wait3A_70 = tpu.memref_squeeze %dma_wait3A_69 : memref<1x80x272xbf16, #tpu.memory_space<vmem>> -> memref<80x272xbf16, #tpu.memory_space<vmem>>
      %dma_wait3A_71 = arith.constant 0 : i32
      %dma_wait3A_72 = tpu.memref_slice %arg8[%add3A_24, %dma_wait3A_71] : memref<10240x272xbf16, #tpu.memory_space<vmem_shared>> -> memref<80x272xbf16, #tpu.memory_space<vmem_shared>>
      %dma_wait3A_73 = arith.constant 0 : i32
      %dma_wait3A_74 = tpu.memref_slice %arg8[%add3A_24, %dma_wait3A_73] : memref<10240x272xbf16, #tpu.memory_space<vmem_shared>> -> memref<80x272xbf16, #tpu.memory_space<vmem_shared>>
      %dma_wait3A_75 = arith.constant 0 : i32
      %dma_wait3A_76 = arith.constant 0 : i32
      %dma_wait3A_77 = tpu.memref_slice %arg11[%run_scoped3A_25, %dma_wait3A_75, %dma_wait3A_76] : memref<3x80x272xbf16, #tpu.memory_space<vmem>> -> memref<1x80x272xbf16, #tpu.memory_space<vmem>>
      %dma_wait3A_78 = tpu.memref_squeeze %dma_wait3A_77 : memref<1x80x272xbf16, #tpu.memory_space<vmem>> -> memref<80x272xbf16, #tpu.memory_space<vmem>>
      tpu.wait_dma2 semaphore(%run_scoped3A_56 : memref<!tpu.dma_semaphore, #tpu.memory_space<semaphore_mem>>) src(%dma_wait3A_78 : memref<80x272xbf16, #tpu.memory_space<vmem>>) dst(%dma_wait3A_74 : memref<80x272xbf16, #tpu.memory_space<vmem_shared>>)
      tpu.yield
    }) : () -> ()
    %mul3A_26 = arith.constant 640 : i32
    %mul3A_27 = arith.muli %arg1, %mul3A_26 : i32
    %add3A_28 = arith.constant 400 : i32
    %add3A_29 = arith.addi %mul3A_27, %add3A_28 : i32
    %run_scoped3A_30 = arith.constant 0 : i32
    "tpu.region"() ({
      %run_scoped3A_56 = tpu.sem_alloc : memref<!tpu.dma_semaphore, #tpu.memory_space<semaphore_mem>>
      %dma_start3A = arith.constant 0 : i32
      %dma_start3A_57 = arith.constant 0 : i32
      %dma_start3A_58 = tpu.memref_slice %arg11[%run_scoped3A_30, %dma_start3A, %dma_start3A_57] : memref<3x80x272xbf16, #tpu.memory_space<vmem>> -> memref<1x80x272xbf16, #tpu.memory_space<vmem>>
      %dma_start3A_59 = tpu.memref_squeeze %dma_start3A_58 : memref<1x80x272xbf16, #tpu.memory_space<vmem>> -> memref<80x272xbf16, #tpu.memory_space<vmem>>
      %dma_start3A_60 = arith.constant 0 : i32
      %dma_start3A_61 = tpu.memref_slice %arg8[%add3A_29, %dma_start3A_60] : memref<10240x272xbf16, #tpu.memory_space<vmem_shared>> -> memref<80x272xbf16, #tpu.memory_space<vmem_shared>>
      %dma_start3A_62 = arith.constant 0 : i32
      %dma_start3A_63 = tpu.memref_slice %arg8[%add3A_29, %dma_start3A_62] : memref<10240x272xbf16, #tpu.memory_space<vmem_shared>> -> memref<80x272xbf16, #tpu.memory_space<vmem_shared>>
      %dma_start3A_64 = arith.constant 0 : i32
      %dma_start3A_65 = arith.constant 0 : i32
      %dma_start3A_66 = tpu.memref_slice %arg11[%run_scoped3A_30, %dma_start3A_64, %dma_start3A_65] : memref<3x80x272xbf16, #tpu.memory_space<vmem>> -> memref<1x80x272xbf16, #tpu.memory_space<vmem>>
      %dma_start3A_67 = tpu.memref_squeeze %dma_start3A_66 : memref<1x80x272xbf16, #tpu.memory_space<vmem>> -> memref<80x272xbf16, #tpu.memory_space<vmem>>
      tpu.enqueue_dma source(%dma_start3A_67 : memref<80x272xbf16, #tpu.memory_space<vmem>>) target(%dma_start3A_63 : memref<80x272xbf16, #tpu.memory_space<vmem_shared>>) target_semaphore(%run_scoped3A_56 : memref<!tpu.dma_semaphore, #tpu.memory_space<semaphore_mem>>)
      %dma_wait3A = arith.constant 0 : i32
      %dma_wait3A_68 = arith.constant 0 : i32
      %dma_wait3A_69 = tpu.memref_slice %arg11[%run_scoped3A_30, %dma_wait3A, %dma_wait3A_68] : memref<3x80x272xbf16, #tpu.memory_space<vmem>> -> memref<1x80x272xbf16, #tpu.memory_space<vmem>>
      %dma_wait3A_70 = tpu.memref_squeeze %dma_wait3A_69 : memref<1x80x272xbf16, #tpu.memory_space<vmem>> -> memref<80x272xbf16, #tpu.memory_space<vmem>>
      %dma_wait3A_71 = arith.constant 0 : i32
      %dma_wait3A_72 = tpu.memref_slice %arg8[%add3A_29, %dma_wait3A_71] : memref<10240x272xbf16, #tpu.memory_space<vmem_shared>> -> memref<80x272xbf16, #tpu.memory_space<vmem_shared>>
      %dma_wait3A_73 = arith.constant 0 : i32
      %dma_wait3A_74 = tpu.memref_slice %arg8[%add3A_29, %dma_wait3A_73] : memref<10240x272xbf16, #tpu.memory_space<vmem_shared>> -> memref<80x272xbf16, #tpu.memory_space<vmem_shared>>
      %dma_wait3A_75 = arith.constant 0 : i32
      %dma_wait3A_76 = arith.constant 0 : i32
      %dma_wait3A_77 = tpu.memref_slice %arg11[%run_scoped3A_30, %dma_wait3A_75, %dma_wait3A_76] : memref<3x80x272xbf16, #tpu.memory_space<vmem>> -> memref<1x80x272xbf16, #tpu.memory_space<vmem>>
      %dma_wait3A_78 = tpu.memref_squeeze %dma_wait3A_77 : memref<1x80x272xbf16, #tpu.memory_space<vmem>> -> memref<80x272xbf16, #tpu.memory_space<vmem>>
      tpu.wait_dma2 semaphore(%run_scoped3A_56 : memref<!tpu.dma_semaphore, #tpu.memory_space<semaphore_mem>>) src(%dma_wait3A_78 : memref<80x272xbf16, #tpu.memory_space<vmem>>) dst(%dma_wait3A_74 : memref<80x272xbf16, #tpu.memory_space<vmem_shared>>)
      tpu.yield
    }) : () -> ()
    %mul3A_31 = arith.constant 640 : i32
    %mul3A_32 = arith.muli %arg1, %mul3A_31 : i32
    %add3A_33 = arith.constant 480 : i32
    %add3A_34 = arith.addi %mul3A_32, %add3A_33 : i32
    %run_scoped3A_35 = arith.constant 0 : i32
    "tpu.region"() ({
      %run_scoped3A_56 = tpu.sem_alloc : memref<!tpu.dma_semaphore, #tpu.memory_space<semaphore_mem>>
      %dma_start3A = arith.constant 0 : i32
      %dma_start3A_57 = arith.constant 0 : i32
      %dma_start3A_58 = tpu.memref_slice %arg11[%run_scoped3A_35, %dma_start3A, %dma_start3A_57] : memref<3x80x272xbf16, #tpu.memory_space<vmem>> -> memref<1x80x272xbf16, #tpu.memory_space<vmem>>
      %dma_start3A_59 = tpu.memref_squeeze %dma_start3A_58 : memref<1x80x272xbf16, #tpu.memory_space<vmem>> -> memref<80x272xbf16, #tpu.memory_space<vmem>>
      %dma_start3A_60 = arith.constant 0 : i32
      %dma_start3A_61 = tpu.memref_slice %arg8[%add3A_34, %dma_start3A_60] : memref<10240x272xbf16, #tpu.memory_space<vmem_shared>> -> memref<80x272xbf16, #tpu.memory_space<vmem_shared>>
      %dma_start3A_62 = arith.constant 0 : i32
      %dma_start3A_63 = tpu.memref_slice %arg8[%add3A_34, %dma_start3A_62] : memref<10240x272xbf16, #tpu.memory_space<vmem_shared>> -> memref<80x272xbf16, #tpu.memory_space<vmem_shared>>
      %dma_start3A_64 = arith.constant 0 : i32
      %dma_start3A_65 = arith.constant 0 : i32
      %dma_start3A_66 = tpu.memref_slice %arg11[%run_scoped3A_35, %dma_start3A_64, %dma_start3A_65] : memref<3x80x272xbf16, #tpu.memory_space<vmem>> -> memref<1x80x272xbf16, #tpu.memory_space<vmem>>
      %dma_start3A_67 = tpu.memref_squeeze %dma_start3A_66 : memref<1x80x272xbf16, #tpu.memory_space<vmem>> -> memref<80x272xbf16, #tpu.memory_space<vmem>>
      tpu.enqueue_dma source(%dma_start3A_67 : memref<80x272xbf16, #tpu.memory_space<vmem>>) target(%dma_start3A_63 : memref<80x272xbf16, #tpu.memory_space<vmem_shared>>) target_semaphore(%run_scoped3A_56 : memref<!tpu.dma_semaphore, #tpu.memory_space<semaphore_mem>>)
      %dma_wait3A = arith.constant 0 : i32
      %dma_wait3A_68 = arith.constant 0 : i32
      %dma_wait3A_69 = tpu.memref_slice %arg11[%run_scoped3A_35, %dma_wait3A, %dma_wait3A_68] : memref<3x80x272xbf16, #tpu.memory_space<vmem>> -> memref<1x80x272xbf16, #tpu.memory_space<vmem>>
      %dma_wait3A_70 = tpu.memref_squeeze %dma_wait3A_69 : memref<1x80x272xbf16, #tpu.memory_space<vmem>> -> memref<80x272xbf16, #tpu.memory_space<vmem>>
      %dma_wait3A_71 = arith.constant 0 : i32
      %dma_wait3A_72 = tpu.memref_slice %arg8[%add3A_34, %dma_wait3A_71] : memref<10240x272xbf16, #tpu.memory_space<vmem_shared>> -> memref<80x272xbf16, #tpu.memory_space<vmem_shared>>
      %dma_wait3A_73 = arith.constant 0 : i32
      %dma_wait3A_74 = tpu.memref_slice %arg8[%add3A_34, %dma_wait3A_73] : memref<10240x272xbf16, #tpu.memory_space<vmem_shared>> -> memref<80x272xbf16, #tpu.memory_space<vmem_shared>>
      %dma_wait3A_75 = arith.constant 0 : i32
      %dma_wait3A_76 = arith.constant 0 : i32
      %dma_wait3A_77 = tpu.memref_slice %arg11[%run_scoped3A_35, %dma_wait3A_75, %dma_wait3A_76] : memref<3x80x272xbf16, #tpu.memory_space<vmem>> -> memref<1x80x272xbf16, #tpu.memory_space<vmem>>
      %dma_wait3A_78 = tpu.memref_squeeze %dma_wait3A_77 : memref<1x80x272xbf16, #tpu.memory_space<vmem>> -> memref<80x272xbf16, #tpu.memory_space<vmem>>
      tpu.wait_dma2 semaphore(%run_scoped3A_56 : memref<!tpu.dma_semaphore, #tpu.memory_space<semaphore_mem>>) src(%dma_wait3A_78 : memref<80x272xbf16, #tpu.memory_space<vmem>>) dst(%dma_wait3A_74 : memref<80x272xbf16, #tpu.memory_space<vmem_shared>>)
      tpu.yield
    }) : () -> ()
    %mul3A_36 = arith.constant 640 : i32
    %mul3A_37 = arith.muli %arg1, %mul3A_36 : i32
    %add3A_38 = arith.constant 560 : i32
    %add3A_39 = arith.addi %mul3A_37, %add3A_38 : i32
    %run_scoped3A_40 = arith.constant 0 : i32
    "tpu.region"() ({
      %run_scoped3A_56 = tpu.sem_alloc : memref<!tpu.dma_semaphore, #tpu.memory_space<semaphore_mem>>
      %dma_start3A = arith.constant 0 : i32
      %dma_start3A_57 = arith.constant 0 : i32
      %dma_start3A_58 = tpu.memref_slice %arg11[%run_scoped3A_40, %dma_start3A, %dma_start3A_57] : memref<3x80x272xbf16, #tpu.memory_space<vmem>> -> memref<1x80x272xbf16, #tpu.memory_space<vmem>>
      %dma_start3A_59 = tpu.memref_squeeze %dma_start3A_58 : memref<1x80x272xbf16, #tpu.memory_space<vmem>> -> memref<80x272xbf16, #tpu.memory_space<vmem>>
      %dma_start3A_60 = arith.constant 0 : i32
      %dma_start3A_61 = tpu.memref_slice %arg8[%add3A_39, %dma_start3A_60] : memref<10240x272xbf16, #tpu.memory_space<vmem_shared>> -> memref<80x272xbf16, #tpu.memory_space<vmem_shared>>
      %dma_start3A_62 = arith.constant 0 : i32
      %dma_start3A_63 = tpu.memref_slice %arg8[%add3A_39, %dma_start3A_62] : memref<10240x272xbf16, #tpu.memory_space<vmem_shared>> -> memref<80x272xbf16, #tpu.memory_space<vmem_shared>>
      %dma_start3A_64 = arith.constant 0 : i32
      %dma_start3A_65 = arith.constant 0 : i32
      %dma_start3A_66 = tpu.memref_slice %arg11[%run_scoped3A_40, %dma_start3A_64, %dma_start3A_65] : memref<3x80x272xbf16, #tpu.memory_space<vmem>> -> memref<1x80x272xbf16, #tpu.memory_space<vmem>>
      %dma_start3A_67 = tpu.memref_squeeze %dma_start3A_66 : memref<1x80x272xbf16, #tpu.memory_space<vmem>> -> memref<80x272xbf16, #tpu.memory_space<vmem>>
      tpu.enqueue_dma source(%dma_start3A_67 : memref<80x272xbf16, #tpu.memory_space<vmem>>) target(%dma_start3A_63 : memref<80x272xbf16, #tpu.memory_space<vmem_shared>>) target_semaphore(%run_scoped3A_56 : memref<!tpu.dma_semaphore, #tpu.memory_space<semaphore_mem>>)
      %dma_wait3A = arith.constant 0 : i32
      %dma_wait3A_68 = arith.constant 0 : i32
      %dma_wait3A_69 = tpu.memref_slice %arg11[%run_scoped3A_40, %dma_wait3A, %dma_wait3A_68] : memref<3x80x272xbf16, #tpu.memory_space<vmem>> -> memref<1x80x272xbf16, #tpu.memory_space<vmem>>
      %dma_wait3A_70 = tpu.memref_squeeze %dma_wait3A_69 : memref<1x80x272xbf16, #tpu.memory_space<vmem>> -> memref<80x272xbf16, #tpu.memory_space<vmem>>
      %dma_wait3A_71 = arith.constant 0 : i32
      %dma_wait3A_72 = tpu.memref_slice %arg8[%add3A_39, %dma_wait3A_71] : memref<10240x272xbf16, #tpu.memory_space<vmem_shared>> -> memref<80x272xbf16, #tpu.memory_space<vmem_shared>>
      %dma_wait3A_73 = arith.constant 0 : i32
      %dma_wait3A_74 = tpu.memref_slice %arg8[%add3A_39, %dma_wait3A_73] : memref<10240x272xbf16, #tpu.memory_space<vmem_shared>> -> memref<80x272xbf16, #tpu.memory_space<vmem_shared>>
      %dma_wait3A_75 = arith.constant 0 : i32
      %dma_wait3A_76 = arith.constant 0 : i32
      %dma_wait3A_77 = tpu.memref_slice %arg11[%run_scoped3A_40, %dma_wait3A_75, %dma_wait3A_76] : memref<3x80x272xbf16, #tpu.memory_space<vmem>> -> memref<1x80x272xbf16, #tpu.memory_space<vmem>>
      %dma_wait3A_78 = tpu.memref_squeeze %dma_wait3A_77 : memref<1x80x272xbf16, #tpu.memory_space<vmem>> -> memref<80x272xbf16, #tpu.memory_space<vmem>>
      tpu.wait_dma2 semaphore(%run_scoped3A_56 : memref<!tpu.dma_semaphore, #tpu.memory_space<semaphore_mem>>) src(%dma_wait3A_78 : memref<80x272xbf16, #tpu.memory_space<vmem>>) dst(%dma_wait3A_74 : memref<80x272xbf16, #tpu.memory_space<vmem_shared>>)
      tpu.yield
    }) : () -> ()
    %barrier3A = arith.constant 0 : index
    tpu.barrier barrier_id(%barrier3A)
    %scan3A = arith.constant 0 : i32
    %scan3A_41 = arith.constant 0 : i32
    %scan3A_42 = arith.constant 5 : i32
    %scan3A_43 = arith.addi %scan3A_41, %scan3A_42 : i32
    %scan3A_44 = arith.constant 1 : i32
    scf.for %scan3A_56 = %scan3A_41 to %scan3A_43 step %scan3A_44  : i32 {
      %mul3A_57 = arith.constant 125 : i32
      %mul3A_58 = arith.muli %add3A, %mul3A_57 : i32
      %mul3A_59 = arith.constant 25 : i32
      %mul3A_60 = arith.muli %scan3A_56, %mul3A_59 : i32
      %add3A_61 = arith.addi %mul3A_58, %mul3A_60 : i32
      "tpu.region"() ({
        %run_scoped3A_102 = tpu.sem_alloc : memref<!tpu.dma_semaphore, #tpu.memory_space<semaphore_mem>>
        %dma_start3A_103 = arith.constant 0 : i32
        %dma_start3A_104 = tpu.memref_slice %arg3[%add3A_61, %dma_start3A_103] : memref<4000x80xi32, #tpu.memory_space<hbm>> -> memref<25x80xi32, #tpu.memory_space<hbm>>
        %dma_start3A_105 = arith.constant 0 : i32
        %dma_start3A_106 = tpu.memref_slice %arg3[%add3A_61, %dma_start3A_105] : memref<4000x80xi32, #tpu.memory_space<hbm>> -> memref<25x80xi32, #tpu.memory_space<hbm>>
        tpu.enqueue_dma source(%dma_start3A_106 : memref<25x80xi32, #tpu.memory_space<hbm>>) target(%arg9 : memref<25x80xi32, #tpu.memory_space<vmem>>) target_semaphore(%run_scoped3A_102 : memref<!tpu.dma_semaphore, #tpu.memory_space<semaphore_mem>>)
        %dma_wait3A_107 = arith.constant 0 : i32
        %dma_wait3A_108 = tpu.memref_slice %arg3[%add3A_61, %dma_wait3A_107] : memref<4000x80xi32, #tpu.memory_space<hbm>> -> memref<25x80xi32, #tpu.memory_space<hbm>>
        %dma_wait3A_109 = arith.constant 0 : i32
        %dma_wait3A_110 = tpu.memref_slice %arg3[%add3A_61, %dma_wait3A_109] : memref<4000x80xi32, #tpu.memory_space<hbm>> -> memref<25x80xi32, #tpu.memory_space<hbm>>
        tpu.wait_dma2 semaphore(%run_scoped3A_102 : memref<!tpu.dma_semaphore, #tpu.memory_space<semaphore_mem>>) src(%dma_wait3A_110 : memref<25x80xi32, #tpu.memory_space<hbm>>) dst(%arg9 : memref<25x80xi32, #tpu.memory_space<vmem>>)
        tpu.yield
      }) : () -> ()
      "tpu.region"() ({
        %run_scoped3A_102 = tpu.sem_alloc : memref<!tpu.dma_semaphore, #tpu.memory_space<semaphore_mem>>
        %dma_start3A_103 = arith.constant 0 : i32
        %dma_start3A_104 = tpu.memref_slice %arg4[%add3A_61, %dma_start3A_103] : memref<4000x80xi32, #tpu.memory_space<hbm>> -> memref<25x80xi32, #tpu.memory_space<hbm>>
        %dma_start3A_105 = arith.constant 0 : i32
        %dma_start3A_106 = tpu.memref_slice %arg4[%add3A_61, %dma_start3A_105] : memref<4000x80xi32, #tpu.memory_space<hbm>> -> memref<25x80xi32, #tpu.memory_space<hbm>>
        tpu.enqueue_dma source(%dma_start3A_106 : memref<25x80xi32, #tpu.memory_space<hbm>>) target(%arg10 : memref<25x80xi32, #tpu.memory_space<vmem>>) target_semaphore(%run_scoped3A_102 : memref<!tpu.dma_semaphore, #tpu.memory_space<semaphore_mem>>)
        %dma_wait3A_107 = arith.constant 0 : i32
        %dma_wait3A_108 = tpu.memref_slice %arg4[%add3A_61, %dma_wait3A_107] : memref<4000x80xi32, #tpu.memory_space<hbm>> -> memref<25x80xi32, #tpu.memory_space<hbm>>
        %dma_wait3A_109 = arith.constant 0 : i32
        %dma_wait3A_110 = tpu.memref_slice %arg4[%add3A_61, %dma_wait3A_109] : memref<4000x80xi32, #tpu.memory_space<hbm>> -> memref<25x80xi32, #tpu.memory_space<hbm>>
        tpu.wait_dma2 semaphore(%run_scoped3A_102 : memref<!tpu.dma_semaphore, #tpu.memory_space<semaphore_mem>>) src(%dma_wait3A_110 : memref<25x80xi32, #tpu.memory_space<hbm>>) dst(%arg10 : memref<25x80xi32, #tpu.memory_space<vmem>>)
        tpu.yield
      }) : () -> ()
      %dma_start3A = arith.constant 0 : i32
      %dma_start3A_62 = arith.constant 0 : i32
      %dma_start3A_63 = arith.constant 0 : i32
      %dma_start3A_64 = arith.constant 0 : i32
      %dma_start3A_65 = tpu.memref_slice %arg11[%dma_start3A_62, %dma_start3A_63, %dma_start3A_64] : memref<3x80x272xbf16, #tpu.memory_space<vmem>> -> memref<1x80x272xbf16, #tpu.memory_space<vmem>>
      %dma_start3A_66 = tpu.memref_squeeze %dma_start3A_65 : memref<1x80x272xbf16, #tpu.memory_space<vmem>> -> memref<80x272xbf16, #tpu.memory_space<vmem>>
      %dma_start3A_67 = arith.constant 0 : i32
      %dma_start3A_68 = tpu.memref_slice %arg9[%dma_start3A, %dma_start3A_67] : memref<25x80xi32, #tpu.memory_space<vmem>> -> memref<1x80xi32, #tpu.memory_space<vmem>>
      %dma_start3A_69 = tpu.memref_squeeze %dma_start3A_68 : memref<1x80xi32, #tpu.memory_space<vmem>> -> memref<80xi32, #tpu.memory_space<vmem>>
      %dma_start3A_70 = arith.constant 0 : i32
      %dma_start3A_71 = arith.constant 0 : i32
      %dma_start3A_72 = tpu.memref_slice %arg2[%dma_start3A_70, %dma_start3A_71] : memref<10000x272xbf16, #tpu.memory_space<hbm>> -> memref<10000x272xbf16, #tpu.memory_space<hbm>>
      tpu.enqueue_indirect_dma source(%dma_start3A_72 : memref<10000x272xbf16, #tpu.memory_space<hbm>>) target(%dma_start3A_66 : memref<80x272xbf16, #tpu.memory_space<vmem>>) offsets(%dma_start3A_69 : memref<80xi32, #tpu.memory_space<vmem>>) semaphore(%arg12 : memref<!tpu.dma_semaphore, #tpu.memory_space<semaphore_mem>>)
      %dma_start3A_73 = arith.constant 1 : i32
      %dma_start3A_74 = arith.constant 1 : i32
      %dma_start3A_75 = arith.constant 0 : i32
      %dma_start3A_76 = arith.constant 0 : i32
      %dma_start3A_77 = tpu.memref_slice %arg11[%dma_start3A_74, %dma_start3A_75, %dma_start3A_76] : memref<3x80x272xbf16, #tpu.memory_space<vmem>> -> memref<1x80x272xbf16, #tpu.memory_space<vmem>>
      %dma_start3A_78 = tpu.memref_squeeze %dma_start3A_77 : memref<1x80x272xbf16, #tpu.memory_space<vmem>> -> memref<80x272xbf16, #tpu.memory_space<vmem>>
      %dma_start3A_79 = arith.constant 0 : i32
      %dma_start3A_80 = tpu.memref_slice %arg9[%dma_start3A_73, %dma_start3A_79] : memref<25x80xi32, #tpu.memory_space<vmem>> -> memref<1x80xi32, #tpu.memory_space<vmem>>
      %dma_start3A_81 = tpu.memref_squeeze %dma_start3A_80 : memref<1x80xi32, #tpu.memory_space<vmem>> -> memref<80xi32, #tpu.memory_space<vmem>>
      %dma_start3A_82 = arith.constant 0 : i32
      %dma_start3A_83 = arith.constant 0 : i32
      %dma_start3A_84 = tpu.memref_slice %arg2[%dma_start3A_82, %dma_start3A_83] : memref<10000x272xbf16, #tpu.memory_space<hbm>> -> memref<10000x272xbf16, #tpu.memory_space<hbm>>
      tpu.enqueue_indirect_dma source(%dma_start3A_84 : memref<10000x272xbf16, #tpu.memory_space<hbm>>) target(%dma_start3A_78 : memref<80x272xbf16, #tpu.memory_space<vmem>>) offsets(%dma_start3A_81 : memref<80xi32, #tpu.memory_space<vmem>>) semaphore(%arg12 : memref<!tpu.dma_semaphore, #tpu.memory_space<semaphore_mem>>)
      %scan3A_85 = arith.constant 0 : i32
      %scan3A_86 = arith.constant 0 : i32
      %scan3A_87 = arith.constant 25 : i32
      %scan3A_88 = arith.addi %scan3A_86, %scan3A_87 : i32
      %scan3A_89 = arith.constant 1 : i32
      scf.for %scan3A_102 = %scan3A_86 to %scan3A_88 step %scan3A_89  : i32 {
        %jit3A = arith.constant 3 : i32
        %eq3A_103 = arith.constant 0 : i32
        %eq3A_104 = arith.cmpi eq, %jit3A, %eq3A_103 : i32
        %jit3A_105 = arith.constant 1 : i32
        %select_n3A = arith.select %eq3A_104, %jit3A_105, %jit3A : i32
        %rem3A = arith.remsi %scan3A_102, %select_n3A : i32
        %ne3A = arith.constant 0 : i32
        %ne3A_106 = arith.cmpi ne, %rem3A, %ne3A : i32
        %lt3A = arith.constant 0 : i32
        %lt3A_107 = arith.cmpi slt, %rem3A, %lt3A : i32
        %lt3A_108 = arith.constant 0 : i32
        %lt3A_109 = arith.cmpi slt, %select_n3A, %lt3A_108 : i32
        %ne3A_110 = arith.xori %lt3A_107, %lt3A_109 : i1
        %and3A = arith.andi %ne3A_110, %ne3A_106 : i1
        %add3A_111 = arith.addi %rem3A, %select_n3A : i32
        %select_n3A_112 = arith.select %and3A, %add3A_111, %rem3A : i32
        %dma_wait3A_113 = arith.constant 0 : i32
        %dma_wait3A_114 = arith.constant 0 : i32
        %dma_wait3A_115 = tpu.memref_slice %arg11[%select_n3A_112, %dma_wait3A_113, %dma_wait3A_114] : memref<3x80x272xbf16, #tpu.memory_space<vmem>> -> memref<1x80x272xbf16, #tpu.memory_space<vmem>>
        %dma_wait3A_116 = tpu.memref_squeeze %dma_wait3A_115 : memref<1x80x272xbf16, #tpu.memory_space<vmem>> -> memref<80x272xbf16, #tpu.memory_space<vmem>>
        %dma_wait3A_117 = arith.constant 0 : i32
        %dma_wait3A_118 = tpu.memref_slice %arg9[%scan3A_102, %dma_wait3A_117] : memref<25x80xi32, #tpu.memory_space<vmem>> -> memref<1x80xi32, #tpu.memory_space<vmem>>
        %dma_wait3A_119 = tpu.memref_squeeze %dma_wait3A_118 : memref<1x80xi32, #tpu.memory_space<vmem>> -> memref<80xi32, #tpu.memory_space<vmem>>
        %dma_wait3A_120 = arith.constant 0 : i32
        %dma_wait3A_121 = arith.constant 0 : i32
        %dma_wait3A_122 = tpu.memref_slice %arg2[%dma_wait3A_120, %dma_wait3A_121] : memref<10000x272xbf16, #tpu.memory_space<hbm>> -> memref<10000x272xbf16, #tpu.memory_space<hbm>>
        tpu.wait_indirect_dma semaphore(%arg12 : memref<!tpu.dma_semaphore, #tpu.memory_space<semaphore_mem>>) src(%dma_wait3A_122 : memref<10000x272xbf16, #tpu.memory_space<hbm>>) dst(%dma_wait3A_116 : memref<80x272xbf16, #tpu.memory_space<vmem>>)
        %ge3A = arith.constant 1 : i32
        %ge3A_123 = arith.cmpi sge, %scan3A_102, %ge3A : i32
        %convert_element_type3A_124 = arith.extui %ge3A_123 : i1 to i32
        %cond3A_125 = arith.constant 0 : i32
        %cond3A_126 = arith.cmpi ne, %convert_element_type3A_124, %cond3A_125 : i32
        scf.if %cond3A_126 {
          %sub3A = arith.constant 1 : i32
          %sub3A_160 = arith.subi %scan3A_102, %sub3A : i32
          %jit3A_161 = arith.constant 3 : i32
          %eq3A_162 = arith.constant 0 : i32
          %eq3A_163 = arith.cmpi eq, %jit3A_161, %eq3A_162 : i32
          %jit3A_164 = arith.constant 1 : i32
          %select_n3A_165 = arith.select %eq3A_163, %jit3A_164, %jit3A_161 : i32
          %rem3A_166 = arith.remsi %sub3A_160, %select_n3A_165 : i32
          %ne3A_167 = arith.constant 0 : i32
          %ne3A_168 = arith.cmpi ne, %rem3A_166, %ne3A_167 : i32
          %lt3A_169 = arith.constant 0 : i32
          %lt3A_170 = arith.cmpi slt, %rem3A_166, %lt3A_169 : i32
          %lt3A_171 = arith.constant 0 : i32
          %lt3A_172 = arith.cmpi slt, %select_n3A_165, %lt3A_171 : i32
          %ne3A_173 = arith.xori %lt3A_170, %lt3A_172 : i1
          %and3A_174 = arith.andi %ne3A_173, %ne3A_168 : i1
          %add3A_175 = arith.addi %rem3A_166, %select_n3A_165 : i32
          %select_n3A_176 = arith.select %and3A_174, %add3A_175, %rem3A_166 : i32
          %sub3A_177 = arith.constant 1 : i32
          %sub3A_178 = arith.subi %scan3A_102, %sub3A_177 : i32
          %dma_wait3A_179 = arith.constant 0 : i32
          %dma_wait3A_180 = arith.constant 0 : i32
          %dma_wait3A_181 = tpu.memref_slice %arg11[%select_n3A_176, %dma_wait3A_179, %dma_wait3A_180] : memref<3x80x272xbf16, #tpu.memory_space<vmem>> -> memref<1x80x272xbf16, #tpu.memory_space<vmem>>
          %dma_wait3A_182 = tpu.memref_squeeze %dma_wait3A_181 : memref<1x80x272xbf16, #tpu.memory_space<vmem>> -> memref<80x272xbf16, #tpu.memory_space<vmem>>
          %dma_wait3A_183 = arith.constant 0 : i32
          %dma_wait3A_184 = tpu.memref_slice %arg10[%sub3A_178, %dma_wait3A_183] : memref<25x80xi32, #tpu.memory_space<vmem>> -> memref<1x80xi32, #tpu.memory_space<vmem>>
          %dma_wait3A_185 = tpu.memref_squeeze %dma_wait3A_184 : memref<1x80xi32, #tpu.memory_space<vmem>> -> memref<80xi32, #tpu.memory_space<vmem>>
          %dma_wait3A_186 = arith.constant 0 : i32
          %dma_wait3A_187 = arith.constant 0 : i32
          %dma_wait3A_188 = tpu.memref_slice %arg8[%dma_wait3A_186, %dma_wait3A_187] : memref<10240x272xbf16, #tpu.memory_space<vmem_shared>> -> memref<10240x272xbf16, #tpu.memory_space<vmem_shared>>
          tpu.wait_indirect_dma semaphore(%arg13 : memref<!tpu.dma_semaphore, #tpu.memory_space<semaphore_mem>>) src(%dma_wait3A_182 : memref<80x272xbf16, #tpu.memory_space<vmem>>) dst(%dma_wait3A_188 : memref<10240x272xbf16, #tpu.memory_space<vmem_shared>>)
        } else {
        }
        %jit3A_127 = arith.constant 3 : i32
        %eq3A_128 = arith.constant 0 : i32
        %eq3A_129 = arith.cmpi eq, %jit3A_127, %eq3A_128 : i32
        %jit3A_130 = arith.constant 1 : i32
        %select_n3A_131 = arith.select %eq3A_129, %jit3A_130, %jit3A_127 : i32
        %rem3A_132 = arith.remsi %scan3A_102, %select_n3A_131 : i32
        %ne3A_133 = arith.constant 0 : i32
        %ne3A_134 = arith.cmpi ne, %rem3A_132, %ne3A_133 : i32
        %lt3A_135 = arith.constant 0 : i32
        %lt3A_136 = arith.cmpi slt, %rem3A_132, %lt3A_135 : i32
        %lt3A_137 = arith.constant 0 : i32
        %lt3A_138 = arith.cmpi slt, %select_n3A_131, %lt3A_137 : i32
        %ne3A_139 = arith.xori %lt3A_136, %lt3A_138 : i1
        %and3A_140 = arith.andi %ne3A_139, %ne3A_134 : i1
        %add3A_141 = arith.addi %rem3A_132, %select_n3A_131 : i32
        %select_n3A_142 = arith.select %and3A_140, %add3A_141, %rem3A_132 : i32
        %dma_start3A_143 = arith.constant 0 : i32
        %dma_start3A_144 = arith.constant 0 : i32
        %dma_start3A_145 = tpu.memref_slice %arg11[%select_n3A_142, %dma_start3A_143, %dma_start3A_144] : memref<3x80x272xbf16, #tpu.memory_space<vmem>> -> memref<1x80x272xbf16, #tpu.memory_space<vmem>>
        %dma_start3A_146 = tpu.memref_squeeze %dma_start3A_145 : memref<1x80x272xbf16, #tpu.memory_space<vmem>> -> memref<80x272xbf16, #tpu.memory_space<vmem>>
        %dma_start3A_147 = arith.constant 0 : i32
        %dma_start3A_148 = tpu.memref_slice %arg10[%scan3A_102, %dma_start3A_147] : memref<25x80xi32, #tpu.memory_space<vmem>> -> memref<1x80xi32, #tpu.memory_space<vmem>>
        %dma_start3A_149 = tpu.memref_squeeze %dma_start3A_148 : memref<1x80xi32, #tpu.memory_space<vmem>> -> memref<80xi32, #tpu.memory_space<vmem>>
        %dma_start3A_150 = arith.constant 0 : i32
        %dma_start3A_151 = arith.constant 0 : i32
        %dma_start3A_152 = tpu.memref_slice %arg8[%dma_start3A_150, %dma_start3A_151] : memref<10240x272xbf16, #tpu.memory_space<vmem_shared>> -> memref<10240x272xbf16, #tpu.memory_space<vmem_shared>>
        tpu.enqueue_indirect_dma source(%dma_start3A_146 : memref<80x272xbf16, #tpu.memory_space<vmem>>) target(%dma_start3A_152 : memref<10240x272xbf16, #tpu.memory_space<vmem_shared>>) offsets(%dma_start3A_149 : memref<80xi32, #tpu.memory_space<vmem>>) semaphore(%arg13 : memref<!tpu.dma_semaphore, #tpu.memory_space<semaphore_mem>>) {add = true}
        %add3A_153 = arith.constant 2 : i32
        %add3A_154 = arith.addi %scan3A_102, %add3A_153 : i32
        %lt3A_155 = arith.constant 25 : i32
        %lt3A_156 = arith.cmpi slt, %add3A_154, %lt3A_155 : i32
        %convert_element_type3A_157 = arith.extui %lt3A_156 : i1 to i32
        %cond3A_158 = arith.constant 0 : i32
        %cond3A_159 = arith.cmpi ne, %convert_element_type3A_157, %cond3A_158 : i32
        scf.if %cond3A_159 {
          %add3A_160 = arith.constant 2 : i32
          %add3A_161 = arith.addi %scan3A_102, %add3A_160 : i32
          %add3A_162 = arith.constant 2 : i32
          %add3A_163 = arith.addi %scan3A_102, %add3A_162 : i32
          %jit3A_164 = arith.constant 3 : i32
          %eq3A_165 = arith.constant 0 : i32
          %eq3A_166 = arith.cmpi eq, %jit3A_164, %eq3A_165 : i32
          %jit3A_167 = arith.constant 1 : i32
          %select_n3A_168 = arith.select %eq3A_166, %jit3A_167, %jit3A_164 : i32
          %rem3A_169 = arith.remsi %add3A_163, %select_n3A_168 : i32
          %ne3A_170 = arith.constant 0 : i32
          %ne3A_171 = arith.cmpi ne, %rem3A_169, %ne3A_170 : i32
          %lt3A_172 = arith.constant 0 : i32
          %lt3A_173 = arith.cmpi slt, %rem3A_169, %lt3A_172 : i32
          %lt3A_174 = arith.constant 0 : i32
          %lt3A_175 = arith.cmpi slt, %select_n3A_168, %lt3A_174 : i32
          %ne3A_176 = arith.xori %lt3A_173, %lt3A_175 : i1
          %and3A_177 = arith.andi %ne3A_176, %ne3A_171 : i1
          %add3A_178 = arith.addi %rem3A_169, %select_n3A_168 : i32
          %select_n3A_179 = arith.select %and3A_177, %add3A_178, %rem3A_169 : i32
          %dma_start3A_180 = arith.constant 0 : i32
          %dma_start3A_181 = arith.constant 0 : i32
          %dma_start3A_182 = tpu.memref_slice %arg11[%select_n3A_179, %dma_start3A_180, %dma_start3A_181] : memref<3x80x272xbf16, #tpu.memory_space<vmem>> -> memref<1x80x272xbf16, #tpu.memory_space<vmem>>
          %dma_start3A_183 = tpu.memref_squeeze %dma_start3A_182 : memref<1x80x272xbf16, #tpu.memory_space<vmem>> -> memref<80x272xbf16, #tpu.memory_space<vmem>>
          %dma_start3A_184 = arith.constant 0 : i32
          %dma_start3A_185 = tpu.memref_slice %arg9[%add3A_161, %dma_start3A_184] : memref<25x80xi32, #tpu.memory_space<vmem>> -> memref<1x80xi32, #tpu.memory_space<vmem>>
          %dma_start3A_186 = tpu.memref_squeeze %dma_start3A_185 : memref<1x80xi32, #tpu.memory_space<vmem>> -> memref<80xi32, #tpu.memory_space<vmem>>
          %dma_start3A_187 = arith.constant 0 : i32
          %dma_start3A_188 = arith.constant 0 : i32
          %dma_start3A_189 = tpu.memref_slice %arg2[%dma_start3A_187, %dma_start3A_188] : memref<10000x272xbf16, #tpu.memory_space<hbm>> -> memref<10000x272xbf16, #tpu.memory_space<hbm>>
          tpu.enqueue_indirect_dma source(%dma_start3A_189 : memref<10000x272xbf16, #tpu.memory_space<hbm>>) target(%dma_start3A_183 : memref<80x272xbf16, #tpu.memory_space<vmem>>) offsets(%dma_start3A_186 : memref<80xi32, #tpu.memory_space<vmem>>) semaphore(%arg12 : memref<!tpu.dma_semaphore, #tpu.memory_space<semaphore_mem>>)
        } else {
        }
      }
      %scan3A_90 = arith.constant 25 : i32
      %dma_wait3A = arith.constant 0 : i32
      %dma_wait3A_91 = arith.constant 24 : i32
      %dma_wait3A_92 = arith.constant 0 : i32
      %dma_wait3A_93 = arith.constant 0 : i32
      %dma_wait3A_94 = tpu.memref_slice %arg11[%dma_wait3A, %dma_wait3A_92, %dma_wait3A_93] : memref<3x80x272xbf16, #tpu.memory_space<vmem>> -> memref<1x80x272xbf16, #tpu.memory_space<vmem>>
      %dma_wait3A_95 = tpu.memref_squeeze %dma_wait3A_94 : memref<1x80x272xbf16, #tpu.memory_space<vmem>> -> memref<80x272xbf16, #tpu.memory_space<vmem>>
      %dma_wait3A_96 = arith.constant 0 : i32
      %dma_wait3A_97 = tpu.memref_slice %arg10[%dma_wait3A_91, %dma_wait3A_96] : memref<25x80xi32, #tpu.memory_space<vmem>> -> memref<1x80xi32, #tpu.memory_space<vmem>>
      %dma_wait3A_98 = tpu.memref_squeeze %dma_wait3A_97 : memref<1x80xi32, #tpu.memory_space<vmem>> -> memref<80xi32, #tpu.memory_space<vmem>>
      %dma_wait3A_99 = arith.constant 0 : i32
      %dma_wait3A_100 = arith.constant 0 : i32
      %dma_wait3A_101 = tpu.memref_slice %arg8[%dma_wait3A_99, %dma_wait3A_100] : memref<10240x272xbf16, #tpu.memory_space<vmem_shared>> -> memref<10240x272xbf16, #tpu.memory_space<vmem_shared>>
      tpu.wait_indirect_dma semaphore(%arg13 : memref<!tpu.dma_semaphore, #tpu.memory_space<semaphore_mem>>) src(%dma_wait3A_95 : memref<80x272xbf16, #tpu.memory_space<vmem>>) dst(%dma_wait3A_101 : memref<10240x272xbf16, #tpu.memory_space<vmem_shared>>)
    }
    %scan3A_45 = arith.constant 5 : i32
    %barrier3A_46 = arith.constant 0 : index
    tpu.barrier barrier_id(%barrier3A_46)
    %mul3A_47 = arith.constant 640 : i32
    %mul3A_48 = arith.muli %arg1, %mul3A_47 : i32
    %eq3A = arith.constant 0 : i32
    %eq3A_49 = arith.cmpi eq, %arg0, %eq3A : i32
    %convert_element_type3A = arith.extui %eq3A_49 : i1 to i32
    %cond3A = arith.constant 0 : i32
    %cond3A_50 = arith.cmpi ne, %convert_element_type3A, %cond3A : i32
    scf.if %cond3A_50 {
      "tpu.region"() ({
        %run_scoped3A_56 = tpu.sem_alloc : memref<!tpu.dma_semaphore, #tpu.memory_space<semaphore_mem>>
        %dma_start3A = arith.constant 0 : i32
        %dma_start3A_57 = tpu.memref_slice %arg6[%mul3A_48, %dma_start3A] : memref<10240x272xbf16, #tpu.memory_space<hbm>> -> memref<640x272xbf16, #tpu.memory_space<hbm>>
        %dma_start3A_58 = arith.constant 0 : i32
        %dma_start3A_59 = tpu.memref_slice %arg8[%mul3A_48, %dma_start3A_58] : memref<10240x272xbf16, #tpu.memory_space<vmem_shared>> -> memref<640x272xbf16, #tpu.memory_space<vmem_shared>>
        tpu.enqueue_dma source(%dma_start3A_59 : memref<640x272xbf16, #tpu.memory_space<vmem_shared>>) target(%dma_start3A_57 : memref<640x272xbf16, #tpu.memory_space<hbm>>) target_semaphore(%run_scoped3A_56 : memref<!tpu.dma_semaphore, #tpu.memory_space<semaphore_mem>>)
        %dma_wait3A = arith.constant 0 : i32
        %dma_wait3A_60 = tpu.memref_slice %arg6[%mul3A_48, %dma_wait3A] : memref<10240x272xbf16, #tpu.memory_space<hbm>> -> memref<640x272xbf16, #tpu.memory_space<hbm>>
        %dma_wait3A_61 = arith.constant 0 : i32
        %dma_wait3A_62 = tpu.memref_slice %arg8[%mul3A_48, %dma_wait3A_61] : memref<10240x272xbf16, #tpu.memory_space<vmem_shared>> -> memref<640x272xbf16, #tpu.memory_space<vmem_shared>>
        tpu.wait_dma2 semaphore(%run_scoped3A_56 : memref<!tpu.dma_semaphore, #tpu.memory_space<semaphore_mem>>) src(%dma_wait3A_62 : memref<640x272xbf16, #tpu.memory_space<vmem_shared>>) dst(%dma_wait3A_60 : memref<640x272xbf16, #tpu.memory_space<hbm>>)
        tpu.yield
      }) : () -> ()
    } else {
    }
    %eq3A_51 = arith.constant 1 : i32
    %eq3A_52 = arith.cmpi eq, %arg0, %eq3A_51 : i32
    %convert_element_type3A_53 = arith.extui %eq3A_52 : i1 to i32
    %cond3A_54 = arith.constant 0 : i32
    %cond3A_55 = arith.cmpi ne, %convert_element_type3A_53, %cond3A_54 : i32
    scf.if %cond3A_55 {
      "tpu.region"() ({
        %run_scoped3A_56 = tpu.sem_alloc : memref<!tpu.dma_semaphore, #tpu.memory_space<semaphore_mem>>
        %dma_start3A = arith.constant 0 : i32
        %dma_start3A_57 = tpu.memref_slice %arg7[%mul3A_48, %dma_start3A] : memref<10240x272xbf16, #tpu.memory_space<hbm>> -> memref<640x272xbf16, #tpu.memory_space<hbm>>
        %dma_start3A_58 = arith.constant 0 : i32
        %dma_start3A_59 = tpu.memref_slice %arg8[%mul3A_48, %dma_start3A_58] : memref<10240x272xbf16, #tpu.memory_space<vmem_shared>> -> memref<640x272xbf16, #tpu.memory_space<vmem_shared>>
        tpu.enqueue_dma source(%dma_start3A_59 : memref<640x272xbf16, #tpu.memory_space<vmem_shared>>) target(%dma_start3A_57 : memref<640x272xbf16, #tpu.memory_space<hbm>>) target_semaphore(%run_scoped3A_56 : memref<!tpu.dma_semaphore, #tpu.memory_space<semaphore_mem>>)
        %dma_wait3A = arith.constant 0 : i32
        %dma_wait3A_60 = tpu.memref_slice %arg7[%mul3A_48, %dma_wait3A] : memref<10240x272xbf16, #tpu.memory_space<hbm>> -> memref<640x272xbf16, #tpu.memory_space<hbm>>
        %dma_wait3A_61 = arith.constant 0 : i32
        %dma_wait3A_62 = tpu.memref_slice %arg8[%mul3A_48, %dma_wait3A_61] : memref<10240x272xbf16, #tpu.memory_space<vmem_shared>> -> memref<640x272xbf16, #tpu.memory_space<vmem_shared>>
        tpu.wait_dma2 semaphore(%run_scoped3A_56 : memref<!tpu.dma_semaphore, #tpu.memory_space<semaphore_mem>>) src(%dma_wait3A_62 : memref<640x272xbf16, #tpu.memory_space<vmem_shared>>) dst(%dma_wait3A_60 : memref<640x272xbf16, #tpu.memory_space<hbm>>)
        tpu.yield
      }) : () -> ()
    } else {
    }
    return
  }
}

module attributes {stable_mosaic.version = 14 : i64} {
  func.func @_tc_pre_body(%arg0: memref<10000x128xf32, #tpu.memory_space<vmem>>, %arg1: memref<128x128xf32, #tpu.memory_space<vmem>>, %arg2: memref<128x128xf32, #tpu.memory_space<vmem>>, %arg3: memref<1x128xf32, #tpu.memory_space<vmem>>, %arg4: memref<128x128xf32, #tpu.memory_space<vmem>>, %arg5: memref<1x128xf32, #tpu.memory_space<vmem>>, %arg6: memref<128x128xf32, #tpu.memory_space<vmem>>, %arg7: memref<1x128xf32, #tpu.memory_space<vmem>>, %arg8: memref<10000x272xbf16, #tpu.memory_space<vmem>>) attributes {dimension_semantics = [], scalar_prefetch = 0 : i64, scratch_operands = 0 : i64, tpu.core_type = #tpu.core_type<tc>} {
    %get3A = arith.constant 0 : index
    %get3A_0 = arith.constant 0 : index
    %get3A_1 = vector.load %arg0[%get3A, %get3A_0] : memref<10000x128xf32, #tpu.memory_space<vmem>>, vector<10000x128xf32>
    %get3A_2 = arith.constant 0 : index
    %get3A_3 = arith.constant 0 : index
    %get3A_4 = vector.load %arg1[%get3A_2, %get3A_3] : memref<128x128xf32, #tpu.memory_space<vmem>>, vector<128x128xf32>
    %dot_general3A = arith.constant dense<0.000000e+00> : vector<10000x128xf32>
    %dot_general3A_5 = tpu.matmul %get3A_1, %get3A_4, %dot_general3A {dimension_numbers = #tpu.dot_dimension_numbers<[1], [1], [0], [0], [0, 0, 1, 0], [], []>, transpose_lhs_hint = false} : vector<10000x128xf32>, vector<128x128xf32>, vector<10000x128xf32> -> vector<10000x128xf32>
    %get3A_6 = arith.constant 0 : index
    %get3A_7 = arith.constant 0 : index
    %get3A_8 = vector.load %arg2[%get3A_6, %get3A_7] : memref<128x128xf32, #tpu.memory_space<vmem>>, vector<128x128xf32>
    %dot_general3A_9 = arith.constant dense<0.000000e+00> : vector<10000x128xf32>
    %dot_general3A_10 = tpu.matmul %dot_general3A_5, %get3A_8, %dot_general3A_9 {dimension_numbers = #tpu.dot_dimension_numbers<[1], [1], [0], [0], [0, 0, 1, 0], [], []>, transpose_lhs_hint = false} : vector<10000x128xf32>, vector<128x128xf32>, vector<10000x128xf32> -> vector<10000x128xf32>
    %get3A_11 = arith.constant 0 : index
    %get3A_12 = arith.constant 0 : index
    %get3A_13 = vector.load %arg3[%get3A_11, %get3A_12] : memref<1x128xf32, #tpu.memory_space<vmem>>, vector<1x128xf32>
    %add3A = vector.broadcast %get3A_13 : vector<1x128xf32> to vector<10000x128xf32>
    %add3A_14 = arith.addf %dot_general3A_10, %add3A : vector<10000x128xf32>
    %get3A_15 = arith.constant 0 : index
    %get3A_16 = arith.constant 0 : index
    %get3A_17 = vector.load %arg4[%get3A_15, %get3A_16] : memref<128x128xf32, #tpu.memory_space<vmem>>, vector<128x128xf32>
    %dot_general3A_18 = arith.constant dense<0.000000e+00> : vector<10000x128xf32>
    %dot_general3A_19 = tpu.matmul %dot_general3A_5, %get3A_17, %dot_general3A_18 {dimension_numbers = #tpu.dot_dimension_numbers<[1], [1], [0], [0], [0, 0, 1, 0], [], []>, transpose_lhs_hint = false} : vector<10000x128xf32>, vector<128x128xf32>, vector<10000x128xf32> -> vector<10000x128xf32>
    %get3A_20 = arith.constant 0 : index
    %get3A_21 = arith.constant 0 : index
    %get3A_22 = vector.load %arg5[%get3A_20, %get3A_21] : memref<1x128xf32, #tpu.memory_space<vmem>>, vector<1x128xf32>
    %add3A_23 = vector.broadcast %get3A_22 : vector<1x128xf32> to vector<10000x128xf32>
    %add3A_24 = arith.addf %dot_general3A_19, %add3A_23 : vector<10000x128xf32>
    %get3A_25 = arith.constant 0 : index
    %get3A_26 = arith.constant 0 : index
    %get3A_27 = vector.load %arg6[%get3A_25, %get3A_26] : memref<128x128xf32, #tpu.memory_space<vmem>>, vector<128x128xf32>
    %dot_general3A_28 = arith.constant dense<0.000000e+00> : vector<10000x128xf32>
    %dot_general3A_29 = tpu.matmul %dot_general3A_5, %get3A_27, %dot_general3A_28 {dimension_numbers = #tpu.dot_dimension_numbers<[1], [1], [0], [0], [0, 0, 1, 0], [], []>, transpose_lhs_hint = false} : vector<10000x128xf32>, vector<128x128xf32>, vector<10000x128xf32> -> vector<10000x128xf32>
    %get3A_30 = arith.constant 0 : index
    %get3A_31 = arith.constant 0 : index
    %get3A_32 = vector.load %arg7[%get3A_30, %get3A_31] : memref<1x128xf32, #tpu.memory_space<vmem>>, vector<1x128xf32>
    %add3A_33 = vector.broadcast %get3A_32 : vector<1x128xf32> to vector<10000x128xf32>
    %add3A_34 = arith.addf %dot_general3A_29, %add3A_33 : vector<10000x128xf32>
    %mul3A = arith.mulf %add3A_14, %add3A_24 : vector<10000x128xf32>
    %reduce_sum3A = arith.constant dense<0.000000e+00> : vector<10000xf32>
    %reduce_sum3A_35 = vector.multi_reduction <add>, %mul3A, %reduce_sum3A [1] : vector<10000x128xf32> to vector<10000xf32>
    %broadcast_in_dim3A = vector.shape_cast %reduce_sum3A_35 : vector<10000xf32> to vector<10000x1xf32>
    %mul3A_36 = arith.constant 2.500000e-01 : f32
    %mul3A_37 = vector.broadcast %mul3A_36 : f32 to vector<10000x1xf32>
    %mul3A_38 = arith.mulf %broadcast_in_dim3A, %mul3A_37 : vector<10000x1xf32>
    %reduce_max3A = vector.shape_cast %mul3A_38 : vector<10000x1xf32> to vector<1x10000x1xf32>
    %reduce_max3A_39 = arith.constant dense<0xFF800000> : vector<1xf32>
    %reduce_max3A_40 = vector.multi_reduction <maximumf>, %reduce_max3A, %reduce_max3A_39 [1, 2] : vector<1x10000x1xf32> to vector<1xf32>
    %reduce_max3A_41 = vector.shape_cast %reduce_max3A_40 : vector<1xf32> to vector<1x1x1xf32>
    %reduce_max3A_42 = vector.extract %reduce_max3A_41[0, 0, 0] : f32 from vector<1x1x1xf32>
    %sub3A = vector.broadcast %reduce_max3A_42 : f32 to vector<10000x1xf32>
    %sub3A_43 = arith.subf %mul3A_38, %sub3A : vector<10000x1xf32>
    %exp3A = math.exp %sub3A_43 : vector<10000x1xf32>
    %broadcast_in_dim3A_44 = arith.constant 1.000000e+00 : f32
    %broadcast_in_dim3A_45 = vector.broadcast %broadcast_in_dim3A_44 : f32 to vector<10000x1xf32>
    %broadcast_in_dim3A_46 = arith.constant 0.000000e+00 : f32
    %broadcast_in_dim3A_47 = vector.broadcast %broadcast_in_dim3A_46 : f32 to vector<10000x14xf32>
    %mul3A_48 = vector.broadcast %exp3A : vector<10000x1xf32> to vector<10000x128xf32>
    %mul3A_49 = arith.mulf %add3A_34, %mul3A_48 : vector<10000x128xf32>
    %concatenate3A = tpu.concatenate %mul3A_49, %dot_general3A_5, %exp3A, %broadcast_in_dim3A_45, %broadcast_in_dim3A_47 in 1 : vector<10000x128xf32>, vector<10000x128xf32>, vector<10000x1xf32>, vector<10000x1xf32>, vector<10000x14xf32> -> vector<10000x272xf32>
    %convert_element_type3A = arith.truncf %concatenate3A : vector<10000x272xf32> to vector<10000x272xbf16>
    %swap3A = arith.constant 0 : index
    %swap3A_50 = arith.constant 0 : index
    %swap3A_51 = vector.load %arg8[%swap3A, %swap3A_50] : memref<10000x272xbf16, #tpu.memory_space<vmem>>, vector<10000x272xbf16>
    tpu.vector_store %arg8[%swap3A, %swap3A_50], %convert_element_type3A {strides = array<i32>} : memref<10000x272xbf16, #tpu.memory_space<vmem>>, vector<10000x272xbf16>,
    return
  }
}

module attributes {stable_mosaic.version = 14 : i64} {
  func.func @_tc_post_body(%arg0: memref<10240x272xbf16, #tpu.memory_space<vmem>>, %arg1: memref<10240x272xbf16, #tpu.memory_space<vmem>>, %arg2: memref<1x128xf32, #tpu.memory_space<vmem>>, %arg3: memref<1x128xf32, #tpu.memory_space<vmem>>, %arg4: memref<1x10000x128xf32, #tpu.memory_space<vmem>>) attributes {dimension_semantics = [], scalar_prefetch = 0 : i64, scratch_operands = 0 : i64, tpu.core_type = #tpu.core_type<tc>} {
    %get3A = arith.constant 0 : index
    %get3A_0 = arith.constant 0 : index
    %get3A_1 = vector.load %arg0[%get3A, %get3A_0] : memref<10240x272xbf16, #tpu.memory_space<vmem>>, vector<10240x272xbf16>
    %convert_element_type3A = arith.extf %get3A_1 : vector<10240x272xbf16> to vector<10240x272xf32>
    %get3A_2 = arith.constant 0 : index
    %get3A_3 = arith.constant 0 : index
    %get3A_4 = vector.load %arg1[%get3A_2, %get3A_3] : memref<10240x272xbf16, #tpu.memory_space<vmem>>, vector<10240x272xbf16>
    %convert_element_type3A_5 = arith.extf %get3A_4 : vector<10240x272xbf16> to vector<10240x272xf32>
    %add3A = arith.addf %convert_element_type3A, %convert_element_type3A_5 : vector<10240x272xf32>
    %slice3A = vector.extract_strided_slice %add3A {offsets = [0, 0], sizes = [10240, 128], strides = [1, 1]} : vector<10240x272xf32> to vector<10240x128xf32>
    %slice3A_6 = vector.extract_strided_slice %add3A {offsets = [0, 128], sizes = [10240, 128], strides = [1, 1]} : vector<10240x272xf32> to vector<10240x128xf32>
    %slice3A_7 = vector.extract_strided_slice %add3A {offsets = [0, 256], sizes = [10240, 1], strides = [1, 1]} : vector<10240x272xf32> to vector<10240x1xf32>
    %slice3A_8 = vector.extract_strided_slice %add3A {offsets = [0, 257], sizes = [10240, 1], strides = [1, 1]} : vector<10240x272xf32> to vector<10240x1xf32>
    %add3A_9 = arith.constant 1.000000e-16 : f32
    %add3A_10 = vector.broadcast %add3A_9 : f32 to vector<10240x1xf32>
    %add3A_11 = arith.addf %slice3A_7, %add3A_10 : vector<10240x1xf32>
    %div3A = vector.broadcast %add3A_11 : vector<10240x1xf32> to vector<10240x128xf32>
    %div3A_12 = arith.divf %slice3A, %div3A : vector<10240x128xf32>
    %max3A = arith.constant 1.000000e+00 : f32
    %max3A_13 = vector.broadcast %max3A : f32 to vector<10240x1xf32>
    %max3A_14 = arith.maximumf %slice3A_8, %max3A_13 : vector<10240x1xf32>
    %div3A_15 = vector.broadcast %max3A_14 : vector<10240x1xf32> to vector<10240x128xf32>
    %div3A_16 = arith.divf %slice3A_6, %div3A_15 : vector<10240x128xf32>
    %add3A_17 = arith.addf %div3A_12, %div3A_16 : vector<10240x128xf32>
    %reduce_sum3A = arith.constant dense<0.000000e+00> : vector<10240xf32>
    %reduce_sum3A_18 = vector.multi_reduction <add>, %add3A_17, %reduce_sum3A [1] : vector<10240x128xf32> to vector<10240xf32>
    %broadcast_in_dim3A = vector.shape_cast %reduce_sum3A_18 : vector<10240xf32> to vector<10240x1xf32>
    %div3A_19 = arith.constant 1.280000e+02 : f32
    %div3A_20 = vector.broadcast %div3A_19 : f32 to vector<10240x1xf32>
    %div3A_21 = arith.divf %broadcast_in_dim3A, %div3A_20 : vector<10240x1xf32>
    %sub3A = vector.broadcast %div3A_21 : vector<10240x1xf32> to vector<10240x128xf32>
    %sub3A_22 = arith.subf %add3A_17, %sub3A : vector<10240x128xf32>
    %integer_pow3A = arith.mulf %sub3A_22, %sub3A_22 : vector<10240x128xf32>
    %reduce_sum3A_23 = arith.constant dense<0.000000e+00> : vector<10240xf32>
    %reduce_sum3A_24 = vector.multi_reduction <add>, %integer_pow3A, %reduce_sum3A_23 [1] : vector<10240x128xf32> to vector<10240xf32>
    %broadcast_in_dim3A_25 = vector.shape_cast %reduce_sum3A_24 : vector<10240xf32> to vector<10240x1xf32>
    %div3A_26 = arith.constant 1.280000e+02 : f32
    %div3A_27 = vector.broadcast %div3A_26 : f32 to vector<10240x1xf32>
    %div3A_28 = arith.divf %broadcast_in_dim3A_25, %div3A_27 : vector<10240x1xf32>
    %sub3A_29 = vector.broadcast %div3A_21 : vector<10240x1xf32> to vector<10240x128xf32>
    %sub3A_30 = arith.subf %add3A_17, %sub3A_29 : vector<10240x128xf32>
    %add3A_31 = arith.constant 9.99999974E-6 : f32
    %add3A_32 = vector.broadcast %add3A_31 : f32 to vector<10240x1xf32>
    %add3A_33 = arith.addf %div3A_28, %add3A_32 : vector<10240x1xf32>
    %rsqrt3A = math.rsqrt %add3A_33 : vector<10240x1xf32>
    %mul3A = vector.broadcast %rsqrt3A : vector<10240x1xf32> to vector<10240x128xf32>
    %mul3A_34 = arith.mulf %sub3A_30, %mul3A : vector<10240x128xf32>
    %get3A_35 = arith.constant 0 : index
    %get3A_36 = arith.constant 0 : index
    %get3A_37 = vector.load %arg2[%get3A_35, %get3A_36] : memref<1x128xf32, #tpu.memory_space<vmem>>, vector<1x128xf32>
    %mul3A_38 = vector.broadcast %get3A_37 : vector<1x128xf32> to vector<10240x128xf32>
    %mul3A_39 = arith.mulf %mul3A_34, %mul3A_38 : vector<10240x128xf32>
    %get3A_40 = arith.constant 0 : index
    %get3A_41 = arith.constant 0 : index
    %get3A_42 = vector.load %arg3[%get3A_40, %get3A_41] : memref<1x128xf32, #tpu.memory_space<vmem>>, vector<1x128xf32>
    %add3A_43 = vector.broadcast %get3A_42 : vector<1x128xf32> to vector<10240x128xf32>
    %add3A_44 = arith.addf %mul3A_39, %add3A_43 : vector<10240x128xf32>
    %slice3A_45 = vector.extract_strided_slice %add3A_44 {offsets = [0, 0], sizes = [10000, 128], strides = [1, 1]} : vector<10240x128xf32> to vector<10000x128xf32>
    %broadcast_in_dim3A_46 = vector.shape_cast %slice3A_45 : vector<10000x128xf32> to vector<1x10000x128xf32>
    %swap3A = arith.constant 0 : index
    %swap3A_47 = arith.constant 0 : index
    %swap3A_48 = arith.constant 0 : index
    %swap3A_49 = vector.load %arg4[%swap3A, %swap3A_47, %swap3A_48] : memref<1x10000x128xf32, #tpu.memory_space<vmem>>, vector<1x10000x128xf32>
    tpu.vector_store %arg4[%swap3A, %swap3A_47, %swap3A_48], %broadcast_in_dim3A_46 {strides = array<i32>} : memref<1x10000x128xf32, #tpu.memory_space<vmem>>, vector<1x10000x128xf32>,
    return
  }
}

</mosaic_0001>

<sc_bundles>
// kernel: kernel.5.cloned.1.call-start
scs
__scs_entry_jumppad:
0x0: {  	(pc) =	sbr.rel $0x88, $3  }
0x1: {  	(tag) =	ssettag $0x0;
	lr =	simm.s32 $0x1  }
0x2: {  	[smem:$0x3F96] =	sst lr;
	_ =	strace $0xD0000000  }
0x3: {  	_ = 	snop  }
0x4: {  	_ = 	snop  }
0x5: {  	_ = 	snop  }
0x6: {  	_ = 	snop  }
0x7: {  	_ = 	snop  }
__scs_overlays_trampoline_lowered:
0x8: {  	[smem:$0x3FA5] =	sst s0  }
0x9: {  	[smem:$0x3FA6] =	sst s1  }
0xa: {  	[smem:$0x3FA7] =	sst s2  }
0xb: {  	[smem:$0x3FA8] =	sst s3  }
0xc: {  	[smem:$0x3FA9] =	sst s4  }
0xd: {  	[smem:$0x3FAA] =	sst s5  }
0xe: {  	[smem:$0x3FAB] =	sst s6  }
0xf: {  	[smem:$0x3FAC] =	sst s7  }
0x10: {  	[smem:$0x3FAD] =	sst s8  }
0x11: {  	[smem:$0x3FAE] =	sst s9;
	s0 =	simm.s32 @!p0 $0x0  }
0x12: {  	s1 =	sld [smem:$0x3F94];
	s0 =	simm.s32 @p0 $0x1  }
0x13: {  	[smem:$0x3FAF] =	sst s0;
	s0 =	simm.s32 @!p1 $0x0  }
0x14: {  	s2 =	sld [smem:$0x3F93];
	s0 =	simm.s32 @p1 $0x1  }
0x15: {  	[smem:$0x3FB0] =	sst s0;
	s0 =	simm.s32 @!p2 $0x0  }
0x16: {  	s3 =	sld [smem:$0x3FDB];
	s0 =	simm.s32 @p2 $0x1  }
0x17: {  	s4 =	simm.s32 $0x1BF5;
	[smem:$0x3FB2] =	sst s0  }
0x18: {  	s0 =	sld [smem:$0x3F95];
	_ =	swait.ge [sflag:s4], $0x0  }
0x19: {  	s7 =	sld [smem:$0x3F96]  }
0x1a: {  	s8 =	sadd.s32 $0xFFFFE003, lr  }
0x1b: {  	s9 =	sadd.s32 $0xFFFFFEF7, lr;
	s5 =	simm.s32 $0xFFFFFFFF;
	p2 =	slt.u32 s8, $0xFFFFF086  }
0x1c: {  	p1 =	slt.u32 s9, $0xF7A;
	s5 =	simm.s32 @!p2 $0x0  }
0x1d: {  	s5 =	simm.s32 @p1 $0x1;
	p0 =	seq.s32 s7, s2  }
0x1e: {  	s7 =	smul.u32 @!p0 $0xF7A, s2;
	p2 =	seq.s32 @!p0 s5, $0x0  }
0x1f: {  	s9 =	smul.u32 $0xF7A, s1;
	s8 =	simm.s32 @!p0 $0x1BF5;
	p2 =	por !p2, p0  }
0x20: {  	[sflag:s8] =	ssyncset.s32 @!p0 $0xFFFFF086;
	s6 =	sadd.s32 @!p0 s3, s7;
	s7 =	simm.s32 @!p0 $0x108  }
0x21: {  	s3 =	sadd.s32 s3, s9;
	s6 =	sadd.s32 @!p0 $0x88, s6;
	s7 =	simm.s32 @p2 $0x1082  }
0x22: {  	[simem:s7], [sflag:s8] =	dma.local @!p0 [hbm:s6], $0xF7A  }
0x23: {  	s9 =	sor.u32 $0xD0000000, s2;
	s6 =	simm.s32 $0x108;
	_ =	swait.ge @!p0 [sflag:s8], $0x0  }
0x24: {  	s3 =	sadd.s32 $0x88, s3;
	s6 =	simm.s32 @!p1 $0x1082;
	[sflag:s4] =	ssyncset.s32 $0xFFFFF086  }
0x25: {  	[simem:s6], [sflag:s4] =	dma.local [hbm:s3], $0xF7A  }
0x26: {  	[smem:$0x3F96] =	sst s1;
	(tag) =	ssettag s2;
	_ =	strace s9  }
0x27: {  	s1 =	sld [smem:$0x3FA6]  }
0x28: {  	s2 =	sld [smem:$0x3FA7]  }
0x29: {  	s4 =	sld [smem:$0x3FA9]  }
0x2a: {  	p0 =	seq.s32 s5, $0x0;
	s5 =	sld [smem:$0x3FAA]  }
0x2b: {  	s6 =	sld [smem:$0x3FAB]  }
0x2c: {  	s7 =	sld [smem:$0x3FAC]  }
0x2d: {  	s3 =	simm.s32 $0x108;
	s8 =	sld [smem:$0x3FAD]  }
0x2e: {  	s3 =	simm.s32 @!p0 $0x1082;
	s9 =	sld [smem:$0x3FAE]  }
0x2f: {  	lr =	sadd.s32 s0, s3;
	s0 =	sld [smem:$0x3FA5]  }
0x30: {  	s3 =	sld [smem:$0x3FA8]  }
0x31: {  	[smem:$0x3FB1] =	sst s10  }
0x32: {  	s10 =	sld [smem:$0x3FAF];
	_ =	sdelay $0x3  }
0x33: {  	p0 =	seq.s32 s10, $0x1;
	s10 =	sld [smem:$0x3FB1];
	_ =	sdelay $0x3  }
0x34: {  	[smem:$0x3FB1] =	sst s10  }
0x35: {  	s10 =	sld [smem:$0x3FB0];
	_ =	sdelay $0x3  }
0x36: {  	p1 =	seq.s32 s10, $0x1;
	s10 =	sld [smem:$0x3FB1];
	_ =	sdelay $0x3  }
0x37: {  	[smem:$0x3FB1] =	sst s10  }
0x38: {  	s10 =	sld [smem:$0x3FB2]  }
0x39: {  	_ = 	snop;
	(pc) =	sbr.ind lr, $3  }
0x3a: {  	_ = 	snop  }
0x3b: {  	_ = 	snop  }
0x3c: {  	p2 =	seq.s32 s10, $0x1;
	s10 =	sld [smem:$0x3FB1]  }
0x3d: {  	_ =	shalt  }
0x3e: {  	_ =	shalt  }
0x3f: {  	_ =	shalt  }
0x40: {  	_ =	shalt  }
0x41: {  	_ =	shalt  }
0x42: {  	_ =	shalt  }
0x43: {  	_ =	shalt  }
0x44: {  	_ =	shalt  }
0x45: {  	_ =	shalt  }
0x46: {  	_ =	shalt  }
0x47: {  	_ =	shalt  }
0x48: {  	_ =	shalt  }
0x49: {  	_ =	shalt  }
0x4a: {  	_ =	shalt  }
0x4b: {  	_ =	shalt  }
0x4c: {  	_ =	shalt  }
0x4d: {  	_ =	shalt  }
0x4e: {  	_ =	shalt  }
0x4f: {  	_ =	shalt  }
0x50: {  	_ =	shalt  }
0x51: {  	_ =	shalt  }
0x52: {  	_ =	shalt  }
0x53: {  	_ =	shalt  }
0x54: {  	_ =	shalt  }
0x55: {  	_ =	shalt  }
0x56: {  	_ =	shalt  }
0x57: {  	_ =	shalt  }
0x58: {  	_ =	shalt  }
0x59: {  	_ =	shalt  }
0x5a: {  	_ =	shalt  }
0x5b: {  	_ =	shalt  }
0x5c: {  	_ =	shalt  }
0x5d: {  	_ =	shalt  }
0x5e: {  	_ =	shalt  }
0x5f: {  	_ =	shalt  }
0x60: {  	_ =	shalt  }
0x61: {  	_ =	shalt  }
0x62: {  	_ =	shalt  }
0x63: {  	_ =	shalt  }
0x64: {  	_ =	shalt  }
0x65: {  	_ =	shalt  }
0x66: {  	_ =	shalt  }
0x67: {  	_ =	shalt  }
0x68: {  	_ =	shalt  }
0x69: {  	_ =	shalt  }
0x6a: {  	_ =	shalt  }
0x6b: {  	_ =	shalt  }
0x6c: {  	_ =	shalt  }
0x6d: {  	_ =	shalt  }
0x6e: {  	_ =	shalt  }
0x6f: {  	_ =	shalt  }
0x70: {  	_ =	shalt  }
0x71: {  	_ =	shalt  }
0x72: {  	_ =	shalt  }
0x73: {  	_ =	shalt  }
0x74: {  	_ =	shalt  }
0x75: {  	_ =	shalt  }
0x76: {  	_ =	shalt  }
0x77: {  	_ =	shalt  }
0x78: {  	_ =	shalt  }
0x79: {  	_ =	shalt  }
0x7a: {  	_ =	shalt  }
0x7b: {  	_ =	shalt  }
0x7c: {  	_ =	shalt  }
0x7d: {  	_ =	shalt  }
0x7e: {  	_ =	shalt  }
0x7f: {  	_ =	shalt  }
0x80: {  	_ =	shalt  }
0x81: {  	_ =	shalt  }
0x82: {  	_ =	shalt  }
0x83: {  	_ =	shalt  }
0x84: {  	_ =	shalt  }
0x85: {  	_ =	shalt  }
0x86: {  	_ =	shalt  }
0x87: {  	_ =	shalt  }
.Lfunc_end0:
.L_simem_size_0:
called_computation_lowered:
.L_overlay_start_0:
0x88: {  	s2 =	sld [smem:$0x3FD9]  }
0x89: {  	s3 =	sld [smem:$0x3FFE];
	_ =	sdelay $0x1  }
0x8a: {  	s1 =	srdreg.scid  }
0x8b: {  	s0 =	sand.u32 $0x1, s1  }
0x8c: {  	s17 =	sshll.u32 s0, $0xA;
	s2 =	sadd.s32 s3, s2  }
0x8d: {  	s2 =	sadd.s32 s2, s17  }
0x8e: {  	[smem:$0x3FBD] =	sst s2  }
0x8f: {  	_ = 	snop  }
0x90: {  	s2 =	sld [smem:$0x3FD0];
	(tm) =	ssettm $0x1  }
0x91: {  	s18 =	sld [smem:$0x3FFB];
	_ =	sdelay $0x3  }
0x92: {  	_ =	strace s18  }
0x93: {  	s3 =	sld [smem:$0x3FFC];
	_ =	sdelay $0x3  }
0x94: {  	_ =	strace s3  }
0x95: {  	s3 =	sld [smem:$0x3FFD];
	_ =	sdelay $0x3  }
0x96: {  	_ =	strace s3  }
0x97: {  	_ =	strace $0x8FFFFFFF  }
0x98: {  	s19 =	sld [smem:$0x3FDB];
	_ =	sdelay $0x1  }
0x99: {  	s4 =	simm.s32 $_scs_section_size  }
0x9a: {  	s5 =	simm.s32 $_size__tile_overlayer_lowered;
	s6 =	simm.s32 $_tile_overlayer_lowered  }
0x9b: {  	s22 =	simm.s32 $0x1BFF;
	s21 =	sshll.u32 s6, $0x1;
	s3 =	sadd.s32 s4, s19  }
0x9c: {  	s7 =	simm.s32 $0x0;
	s20 =	sshll.u32 s5, $0x1;
	s5 =	sadd.s32 s21, s3  }
0x9d: {  	[timem:s7], [sflag:s22] =	dma.local [hbm:s5], s20  }
0x9e: {  	_ =	swait.ge [sflag:s22], s20  }
0x9f: {  	s4 =	ssub.s32 $0x0, s20;
	[sflag:s22] =	ssyncset.done $0x0  }
0xa0: {  	[sflag:s22] =	ssyncadd.s32 s4;
	_ =	sdelay $0x1  }
0xa1: {  	s23 =	simm.s32 $0x1B8B  }
0xa2: {  	_ =	swait.ge [sflag:s23], $0x1  }
0xa3: {  	[sflag:s23] =	ssyncset.done $0x0  }
0xa4: {  	s25 =	simm.s32 $0x1B8E;
	s24 =	sld [smem:$0x3FFE];
	[sflag:s23] =	ssyncadd.s32 $0xFFFFFFFF  }
0xa5: {  	s26 =	simm.s32 $execute0_lowered;
	[smem:$0x3FD2] =	sst s25  }
0xa6: {  	s5 =	sshll.u32 s26, $0x1;
	_ =	strace $0x80000046;
	[dreg:$0x1] =	wrdreg $0xFFFFFFFF  }
0xa7: {  	s28 =	simm.s32 $_size_execute0_lowered;
	s3 =	sadd.s32 s3, s5;
	[dreg:$0x0] =	wrdreg $0x0  }
0xa8: {  	s5 =	sshll.u32 s28, $0x1;
	[dreg:$0x2] =	wrdreg s3  }
0xa9: {  	[dreg:$0x3] =	wrdreg s5  }
0xaa: {  	[dreg:$0x4] =	wrdreg $0xC0  }
0xab: {  	_ =	task [dreg:s7], $0x5FFFF  }
0xac: {  	[dreg:$0x1] =	wrdreg $0xFFFFFFFF  }
0xad: {  	[dreg:$0x0] =	wrdreg $0x60  }
0xae: {  	[dreg:$0x2] =	wrdreg s24  }
0xaf: {  	[dreg:$0x3] =	wrdreg s2  }
0xb0: {  	[dreg:$0x4] =	wrdreg $0x0  }
0xb1: {  	[dreg:$0x5] =	wrdreg $0x9  }
0xb2: {  	_ =	task.clear_ibuf [dreg:s7], $0x6FFFF;
	_ =	strace $0x90000046  }
0xb3: {  	s29 =	simm.s32 $0x9;
	_ =	strace $0x80000048  }
0xb4: {  	_ =	swait.ge [sflag:s29], $0x1  }
0xb5: {  	[sflag:s29] =	ssyncadd.s32 $0xFFFFFFFF  }
0xb6: {  	_ =	strace $0x90000048  }
0xb7: {  	_ =	sfence  }
0xb8: {  	s30 =	sld [smem:$0x0];
	_ =	sdelay $0x2  }
0xb9: {  	s31 =	sshll.u32 s1, $0xD;
	s1 =	sshrl.u32 s1, $0x2  }
0xba: {  	s3 =	sand.u32 $0x4000, s31;
	s1 =	sadd.s32 s1, s30  }
0xbb: {  	s0 =	sor.u32 s3, s0;
	s1 =	sshll.u32 s1, $0x11  }
0xbc: {  	s0 =	sor.u32 s1, s0  }
0xbd: {  	s0 =	sadd.s32 $0x8F2B, s0  }
0xbe: {  	[sflag:s0] =	ssyncadd.remote.s32 $0x1  }
0xbf: {  	_ =	sfence.sel $0xFFFF  }
0xc0: {  	[dreg:$0x0] =	wrdreg $0xFFFFFFFF;
	(pc) =	sbr.abs _section_cstart, $3  }
0xc1: {  	[dreg:$0x1] =	wrdreg $0xFFFFFFFF  }
0xc2: {  	_ =	task.clear_ibuf [dreg:s7], $0x2FFFF;
	_ =	strace $0x9FFFFFFF  }
0xc3: {  	(tm) =	ssettm $0x7FFFFFFF  }
tec
execute0_lowered:
.L_overlay_start_1:
0x0: {  	(tag) =	ssettag $0x1  }
0x1: {  	s0 =	rddreg [dreg:$0x0]  }
0x2: {  	s1 =	rddreg [dreg:$0x1]  }
0x3: {  	s2 =	rddreg [dreg:$0x2];
	s3 =	simm.s32 $0x0;
	s26 =	srdreg.scid  }
0x4: {  	s7 =	stileid.u32;
	s19 =	simm.s32 $0x163A0;
	s20 =	simm.s32 $0x3  }
0x5: {  	s21 =	simm.s32 $0x15400;
	s22 =	simm.s32 $0x50;
	s23 =	simm.s32 $0x15450  }
0x6: {  	s24 =	simm.s32 $0x18E20;
	s25 =	simm.s32 $0x1;
	s28 =	simm.s32 $0x2  }
0x7: {  	s29 =	simm.s32 $0x0;
	[smem:$0x7FF] =	sst s3;
	s3 =	sand.u32 $0x1, s26  }
0x8: {  	s5 =	sadd.s32 $0xBA00, s0;
	s8 =	smul.u32 $0x55000, s7;
	s6 =	sadd.s32 $0x1C00, s0  }
0x9: {  	s17 =	smul.u32 $0x2A800, s7;
	s10 =	sadd.s32 $0x1600, s0;
	s26 =	simm.s32 $0x15BD0  }
0xa: {  	_ =	strace $0x80000047;
	s4 =	ssub.s32 $0x2, s3;
	[dreg:$0x4] =	wrdreg s10  }
0xb: {  	s30 =	sshll.u32 s3, $0x4;
	p0 =	seq.s32 s3, $0x1;
	s3 =	simm.s32 $0x5FC00  }
0xc: {  	s9 =	sshrl.u32 s4, $0x1;
	s8 =	sshrl.u32 s8, $0x2;
	s31 =	sshrl.u32 s17, $0x1  }
0xd: {  	s16 =	sor.u32 s7, s30;
	s3 =	simm.s32 @!p0 $0x35400;
	s18 =	sshrl.u32 s17, $0x4  }
.Ltmp0:
0xe: {  	s4 =	ssub.s32 s4, s9;
	s15 =	sadd.s32 s8, s2;
	(pc) =	sbr.rel .LBB2_1-.Ltmp0, $4  }
0xf: {  	s8 =	sadd.s32 s31, s2;
	s16 =	smul.u32 $0x7D, s16;
	s0 =	sadd.s32 s3, s0  }
0x10: {  	s9 =	sadd.s32 $0x2A80, s15;
	s10 =	sadd.s32 $0x5500, s15;
	s11 =	sadd.s32 $0x7F80, s15  }
0x11: {  	s12 =	sadd.s32 $0xAA00, s15;
	s13 =	sadd.s32 $0xD480, s15;
	s14 =	sadd.s32 $0xFF00, s15  }
0x12: {  	s15 =	sadd.s32 $0x12980, s15;
	s17 =	smax.u32 s4, $0x1;
	s18 =	sadd.s32 s0, s18  }
.LBB2_9:
0x13: {  	s0 =	stileid.u32;
	s29 =	sadd.s32 $0x1, s29  }
0x14: {  	[bflag:$0x0] =	sbarrier.arrive $0xFFFF;
	s0 =	sshll.u32 s0, $0x6;
	p0 =	sne.s32 s29, s17  }
.Ltmp1:
0x15: {  	s3 =	sshrl.u32 s8, $0x3;
	s0 =	sor.u32 $0x1C03, s0;
	(pc) =	sbr.rel @!p0 .LBB2_10-.Ltmp1, $4  }
0x16: {  	[hbm:s18], [sflag:s0] =	dma.local [spmem:s3], $0x2A80  }
0x17: {  	_ =	swait.ge [sflag:s20], $0x2A80  }
0x18: {  	[sflag:s20] =	ssyncset.done $0x0  }
0x19: {  	[sflag:s20] =	ssyncadd.s32 $0xFFFFD580  }
.LBB2_1:
0x1a: {  	s0 =	simm.s32 $0x0;
	s3 =	rddreg [dreg:$0x4]  }
0x1b: {  	[tilespmem:s19], [sflag:$0x3] =	stream.linear.gather [hbm4b:s3+s0], $0x2A80, $0x38;
	[tilespmem:$0x1E320] =	vst v63  }
0x1c: {  	_ =	swait.ge [sflag:s20], $0x2A80  }
0x1d: {  	[sflag:s20] =	ssyncset.done $0x0  }
0x1e: {  	[sflag:s20] =	ssyncadd.s32 $0xFFFFD580  }
0x1f: {  	[spmem:s8] =	stream.linear.scatter [tilespmem:s19], [sflag:$0x3], $0x2A80, $0x38;
	[tilespmem:$0x1E320] =	vst v63  }
0x20: {  	_ =	swait.ge [sflag:s20], $0x2A80  }
0x21: {  	[sflag:s20] =	ssyncset.done $0x0  }
0x22: {  	[sflag:s20] =	ssyncadd.s32 $0xFFFFD580  }
0x23: {  	[spmem:s9] =	stream.linear.scatter [tilespmem:s19], [sflag:$0x3], $0x2A80, $0x38;
	[tilespmem:$0x1E320] =	vst v63  }
0x24: {  	_ =	swait.ge [sflag:s20], $0x2A80  }
0x25: {  	[sflag:s20] =	ssyncset.done $0x0  }
0x26: {  	[sflag:s20] =	ssyncadd.s32 $0xFFFFD580  }
0x27: {  	[spmem:s10] =	stream.linear.scatter [tilespmem:s19], [sflag:$0x3], $0x2A80, $0x38;
	[tilespmem:$0x1E320] =	vst v63  }
0x28: {  	_ =	swait.ge [sflag:s20], $0x2A80  }
0x29: {  	[sflag:s20] =	ssyncset.done $0x0  }
0x2a: {  	[sflag:s20] =	ssyncadd.s32 $0xFFFFD580  }
0x2b: {  	[spmem:s11] =	stream.linear.scatter [tilespmem:s19], [sflag:$0x3], $0x2A80, $0x38;
	[tilespmem:$0x1E320] =	vst v63  }
0x2c: {  	_ =	swait.ge [sflag:s20], $0x2A80  }
0x2d: {  	[sflag:s20] =	ssyncset.done $0x0  }
0x2e: {  	[sflag:s20] =	ssyncadd.s32 $0xFFFFD580  }
0x2f: {  	[spmem:s12] =	stream.linear.scatter [tilespmem:s19], [sflag:$0x3], $0x2A80, $0x38;
	[tilespmem:$0x1E320] =	vst v63  }
0x30: {  	_ =	swait.ge [sflag:s20], $0x2A80  }
0x31: {  	[sflag:s20] =	ssyncset.done $0x0  }
0x32: {  	[sflag:s20] =	ssyncadd.s32 $0xFFFFD580  }
0x33: {  	[spmem:s13] =	stream.linear.scatter [tilespmem:s19], [sflag:$0x3], $0x2A80, $0x38;
	[tilespmem:$0x1E320] =	vst v63  }
0x34: {  	_ =	swait.ge [sflag:s20], $0x2A80  }
0x35: {  	[sflag:s20] =	ssyncset.done $0x0  }
0x36: {  	[sflag:s20] =	ssyncadd.s32 $0xFFFFD580  }
0x37: {  	[spmem:s14] =	stream.linear.scatter [tilespmem:s19], [sflag:$0x3], $0x2A80, $0x38;
	[tilespmem:$0x1E320] =	vst v63  }
0x38: {  	_ =	swait.ge [sflag:s20], $0x2A80  }
0x39: {  	[sflag:s20] =	ssyncset.done $0x0  }
0x3a: {  	[sflag:s20] =	ssyncadd.s32 $0xFFFFD580  }
0x3b: {  	[spmem:s15] =	stream.linear.scatter [tilespmem:s19], [sflag:$0x3], $0x2A80, $0x38;
	[tilespmem:$0x1E320] =	vst v63  }
.Ltmp2:
0x3c: {  	_ =	swait.ge [sflag:s20], $0x2A80;
	(pc) =	sbr.rel .LBB2_2-.Ltmp2, $4  }
0x3d: {  	[sflag:s20] =	ssyncset.done $0x0  }
0x3e: {  	[sflag:s20] =	ssyncadd.s32 $0xFFFFD580  }
0x3f: {  	[bflag:$0x0] =	sbarrier.arrive $0xFFFF  }
0x40: {  	s30 =	simm.s32 $0x0  }
.LBB2_8:
0x41: {  	s30 =	sadd.s32 $0x1, s30  }
0x42: {  	p0 =	sne.s32 s30, $0x5  }
.Ltmp3:
0x43: {  	_ = 	snop;
	(pc) =	sbr.rel @!p0 .LBB2_9-.Ltmp3, $4  }
0x44: {  	_ = 	snop  }
0x45: {  	_ =	swait.ge [sflag:s28], $0x2A80  }
0x46: {  	[sflag:s28] =	ssyncset.done $0x0  }
0x47: {  	[sflag:s28] =	ssyncadd.s32 $0xFFFFD580  }
.LBB2_2:
0x48: {  	s0 =	smul.u32 $0x19, s30;
	_ =	sdelay $0x1  }
0x49: {  	s0 =	sadd.s32 s16, s0  }
0x4a: {  	s0 =	smul.u32 $0xA, s0;
	_ =	sdelay $0x1  }
0x4b: {  	s31 =	simm.s32 $0x0;
	s3 =	sadd.s32 s6, s0  }
0x4c: {  	[tilespmem:s21], [sflag:$0x3] =	stream.linear.gather [hbm4b:s3+s31], $0x7D0, $0x38;
	[tilespmem:$0x1E320] =	vst v63  }
0x4d: {  	_ =	swait.ge [sflag:s20], $0x7D0  }
0x4e: {  	[sflag:s20] =	ssyncset.done $0x0  }
0x4f: {  	s7 =	sadd.s32 s1, s0;
	s0 =	simm.s32 $0x15BD0;
	[sflag:s20] =	ssyncadd.s32 $0xFFFFF830  }
0x50: {  	[tilespmem:s0], [sflag:$0x3] =	stream.linear.gather [hbm4b:s7+s31], $0x7D0, $0x38;
	[tilespmem:$0x1E320] =	vst v63  }
0x51: {  	_ =	swait.ge [sflag:s20], $0x7D0  }
.Ltmp4:
0x52: {  	[sflag:s20] =	ssyncset.done $0x0;
	(pc) =	sbr.rel .LBB2_3-.Ltmp4, $4  }
0x53: {  	[sflag:s20] =	ssyncadd.s32 $0xFFFFF830  }
0x54: {  	[tilespmem:s19], [sflag:$0x1] =	stream.indirect.gather [hbm4b:s5+s22], $0x88, s21, s22, $0xb8;
	[tilespmem:$0x1E320] =	vst v63  }
0x55: {  	s4 =	simm.s32 $0x154A0  }
0x56: {  	[tilespmem:s24], [sflag:$0x1] =	stream.indirect.gather [hbm4b:s5+s22], $0x88, s23, s22, $0xb8;
	[tilespmem:$0x1E320] =	vst v63  }
.LBB2_4:
0x57: {  	[spmem:s2] =	stream.indirect.scatter.add.bf16 [tilespmem:s3], [sflag:$0x2], $0x88, s26, s22, $0xb8;
	[tilespmem:$0x1E320] =	vst v63  }
.LBB2_6:
0x58: {  	s3 =	sadd.s32 $0x2, s31  }
0x59: {  	s7 =	smul.u32 $0xAB, s3;
	_ =	sdelay $0x1  }
0x5a: {  	s7 =	sshrl.u32 s7, $0x9  }
0x5b: {  	s7 =	sand.u32 $0x7F, s7  }
0x5c: {  	s7 =	smul.u32 $0x3, s7;
	_ =	sdelay $0x1  }
0x5d: {  	s3 =	ssub.s32 s3, s7  }
0x5e: {  	s3 =	sand.u32 $0xFF, s3  }
0x5f: {  	s3 =	smul.u32 $0xAA00, s3;
	_ =	sdelay $0x1  }
0x60: {  	s3 =	sshrl.u32 s3, $0x2  }
0x61: {  	s3 =	sadd.s32 $0x163A0, s3  }
0x62: {  	[tilespmem:s3], [sflag:$0x1] =	stream.indirect.gather [hbm4b:s5+s22], $0x88, s4, s22, $0xb8;
	[tilespmem:$0x1E320] =	vst v63  }
.LBB2_7:
0x63: {  	s31 =	sadd.s32 $0x1, s31  }
0x64: {  	p0 =	sne.s32 s31, $0x19  }
.Ltmp5:
0x65: {  	_ = 	snop;
	(pc) =	sbr.rel @!p0 .LBB2_8-.Ltmp5, $2  }
0x66: {  	_ =	sdelay $0x2  }
0x67: {  	s0 =	sadd.s32 $0x50, s0;
	s4 =	sadd.s32 $0x50, s4  }
.LBB2_3:
0x68: {  	s3 =	smul.u32 $0xAB, s31;
	_ =	sdelay $0x1  }
0x69: {  	s3 =	sshrl.u32 s3, $0x9  }
0x6a: {  	s3 =	sand.u32 $0x7F, s3  }
0x6b: {  	s3 =	smul.u32 $0x3, s3;
	_ =	sdelay $0x1  }
0x6c: {  	p0 =	sne.s32 s31, $0x0;
	s3 =	ssub.s32 s31, s3  }
.Ltmp6:
0x6d: {  	s3 =	sand.u32 $0xFF, s3;
	(pc) =	sbr.rel @!p0 .LBB2_4-.Ltmp6, $4  }
0x6e: {  	s3 =	smul.u32 $0xAA00, s3  }
0x6f: {  	_ =	swait.ge [sflag:s25], $0x2A80  }
0x70: {  	[sflag:s25] =	ssyncset.done $0x0;
	s3 =	sshrl.u32 s3, $0x2  }
0x71: {  	[sflag:s25] =	ssyncadd.s32 $0xFFFFD580;
	s3 =	sadd.s32 $0x163A0, s3  }
0x72: {  	p0 =	sgt.u32 s31, $0x16  }
.Ltmp7:
0x73: {  	_ = 	snop;
	(pc) =	sbr.rel @p0 .LBB2_7-.Ltmp7, $4  }
.Ltmp8:
0x74: {  	_ =	swait.ge [sflag:s28], $0x2A80;
	(pc) =	sbr.rel @!p0 .LBB2_6-.Ltmp8, $4  }
0x75: {  	[sflag:s28] =	ssyncset.done $0x0  }
0x76: {  	[sflag:s28] =	ssyncadd.s32 $0xFFFFD580  }
0x77: {  	[spmem:s2] =	stream.indirect.scatter.add.bf16 [tilespmem:s3], [sflag:$0x2], $0x88, s0, s22, $0xb8;
	[tilespmem:$0x1E320] =	vst v63  }
0x78: {  	_ = 	snop  }
.LBB2_10:
0x79: {  	_ =	sfence.sel $0x180000  }
0x7a: {  	[bflag:$0x0] =	sbarrier.arrive $0xFFFF  }
0x7b: {  	_ =	strace $0x90000047  }
0x7c: {  	s0 =	stileid.u32;
	[bflag:$0x2] =	sbarrier.arrive $0xFFFF  }
0x7d: {  	p0 =	sne.s32 s0, $0x0;
	s0 =	rddreg [dreg:$0x3]  }
0x7e: {  	s0 =	sadd.s32 @!p0 $0x100000, s0  }
0x7f: {  	[sflag:s0] =	ssyncadd.tile.s32 @!p0 $0x1;
	_ =	shalt  }
.Lfunc_end2:
_tile_overlayer_lowered:
.L_overlay_start_2:
0x80: {  	(tag) =	ssettag $0x2  }
0x81: {  	s0 =	rddreg [dreg:$0x0];
	s2 =	stileid.u32  }
0x82: {  	s1 =	rddreg [dreg:$0x1];
	p0 =	sne.s32 s2, $0x0  }
0x83: {  	s3 =	rddreg [dreg:$0x2];
	[bflag:$0x3] =	sbarrier.arrive $0xFFFF;
	s2 =	simm.s32 @!p0 $0x1C03  }
0x84: {  	[timem:s3], [sflag:s2] =	dma.local @!p0 [hbm:s0], s1  }
0x85: {  	s0 =	simm.s32 @!p0 $0x3  }
0x86: {  	_ =	swait.ge @!p0 [sflag:s0], s1  }
0x87: {  	s1 =	ssub.s32 @!p0 $0x0, s1;
	[sflag:s0] =	ssyncset.done @!p0 $0x0  }
0x88: {  	[sflag:s0] =	ssyncadd.s32 @!p0 s1  }
0x89: {  	[bflag:$0x3] =	sbarrier.arrive $0xFFFF  }
0x8a: {  	_ =	shalt  }

</sc_bundles>
